<compile_context>
chip_gen: v7x
topology: tpu7x:2x2x1
jax: 0.10.2.dev20260603
libtpu: 0.0.44.dev20260713+nightly
codegen_flags: <defaults>
</compile_context>

<pallas_src>
import functools

import jax
import jax.numpy as jnp
from jax import lax
from jax.experimental import pallas as pl
from jax.experimental.pallas import tpu as pltpu
from jax.experimental.pallas import tpu_sc as plsc

_B, _N, _C, _H, _W = 4, 4096, 384, 224, 224
_HW = _H * _W
_L = 16
_NWORKERS = 32
_PTS = _B * _N // _NWORKERS
_NBLK = _PTS // _L
_WPB = _NWORKERS // _B

_MIN_XY = -51.2
_SCALE = (_W - 1) / 102.4


def _prep(v):
    vc = jnp.clip(v, -8.0, 232.0)
    t = vc.astype(jnp.int32).astype(jnp.float32)
    f0 = jnp.where(t > vc, t - 1.0, t)
    w1 = vc - f0
    a0 = jnp.where((f0 >= 0.0) & (f0 <= _W - 1.0), 1.0 - w1, 0.0)
    a1 = jnp.where((f0 >= -1.0) & (f0 <= _W - 2.0), w1, 0.0)
    i0 = jnp.clip(f0, 0.0, _W - 1.0).astype(jnp.int32)
    i1 = jnp.clip(f0 + 1.0, 0.0, _W - 1.0).astype(jnp.int32)
    return a0, a1, i0, i1


@functools.partial(
    pl.kernel,
    mesh=plsc.VectorSubcoreMesh(core_axis_name="c", subcore_axis_name="s"),
    compiler_params=pltpu.CompilerParams(needs_layout_passes=False),
    out_type=jax.ShapeDtypeStruct((_B, _N, _C), jnp.float32),
    scratch_types=[
        pltpu.VMEM((_PTS,), jnp.float32),
        pltpu.VMEM((_PTS,), jnp.float32),
        pltpu.VMEM((_NBLK, 4 * _L), jnp.int32),
        pltpu.VMEM((_PTS,), jnp.float32),
        pltpu.VMEM((_PTS,), jnp.float32),
        pltpu.VMEM((_PTS,), jnp.float32),
        pltpu.VMEM((_PTS,), jnp.float32),
        pltpu.VMEM((4 * _L, _C), jnp.float32),
        pltpu.VMEM((_L, _C), jnp.float32),
        pltpu.SemaphoreType.DMA,
    ],
)
def _sc_sample(xs_hbm, ys_hbm, table_hbm, out_hbm,
               xs_v, ys_v, idx_v, ax0_v, ax1_v, ay0_v, ay1_v,
               rows_v, out_v, sem):
    cid = lax.axis_index("c")
    sid = lax.axis_index("s")
    wid = sid * 2 + cid
    b = wid // _WPB
    n0 = (wid % _WPB) * _PTS
    base = b * _HW

    pltpu.sync_copy(xs_hbm.at[b, pl.ds(n0, _PTS)], xs_v)
    pltpu.sync_copy(ys_hbm.at[b, pl.ds(n0, _PTS)], ys_v)

    lane = lax.iota(jnp.int32, _L)

    def precompute(i, carry):
        sl = pl.ds(i * _L, _L)
        ix = (xs_v[sl] - _MIN_XY) * _SCALE
        iy = (ys_v[sl] - _MIN_XY) * _SCALE
        ax0, ax1, xi0, xi1 = _prep(ix)
        ay0, ay1, yi0, yi1 = _prep(iy)
        blk = jnp.zeros((_L,), jnp.int32) + i
        col = lane * 4
        r0 = base + yi0 * _W
        r1 = base + yi1 * _W
        plsc.store_scatter(idx_v, [blk, col], r0 + xi0)
        plsc.store_scatter(idx_v, [blk, col + 1], r0 + xi1)
        plsc.store_scatter(idx_v, [blk, col + 2], r1 + xi0)
        plsc.store_scatter(idx_v, [blk, col + 3], r1 + xi1)
        ax0_v[sl] = ax0
        ax1_v[sl] = ax1
        ay0_v[sl] = ay0
        ay1_v[sl] = ay1
        return carry

    lax.fori_loop(0, _NBLK, precompute, 0)

    def per_block(blk, carry):
        pltpu.async_copy(table_hbm.at[idx_v.at[blk]], rows_v, sem).wait()

        for p in range(_L):
            pid = jnp.zeros((_L,), jnp.int32) + (blk * _L + p)
            wx0 = plsc.load_gather(ax0_v, [pid])
            wx1 = plsc.load_gather(ax1_v, [pid])
            wy0 = plsc.load_gather(ay0_v, [pid])
            wy1 = plsc.load_gather(ay1_v, [pid])

            def chunk(cc, inner):
                cs = pl.ds(cc * _L, _L)
                top = wx0 * rows_v[4 * p, cs] + wx1 * rows_v[4 * p + 1, cs]
                bot = wx0 * rows_v[4 * p + 2, cs] + wx1 * rows_v[4 * p + 3, cs]
                out_v[p, cs] = wy0 * top + wy1 * bot
                return inner

            lax.fori_loop(0, _C // _L, chunk, 0)

        pltpu.sync_copy(out_v, out_hbm.at[b, pl.ds(n0 + blk * _L, _L)])
        return carry

    lax.fori_loop(0, _NBLK, per_block, 0)


def kernel(boxes_3d, bev_features):
    assert boxes_3d.shape == (_B, _N, 7)
    assert bev_features.shape == (_B, _C, _H, _W)
    xs = boxes_3d[:, :, 0]
    ys = boxes_3d[:, :, 1]
    table = jnp.transpose(bev_features, (0, 2, 3, 1)).reshape(_B * _HW, _C)
    roi_features = _sc_sample(xs, ys, table)
    rois = jnp.concatenate(
        [boxes_3d[:, :, 0:2], boxes_3d[:, :, 3:5], boxes_3d[:, :, 6:7]],
        axis=-1)
    return (rois, roi_features)

# --- scband reference (transcript-rebuilt; emitter-appended) ---
"""Pipeline reference for scband-ro-ifeature-extractor-35338990912030 (READ-ONLY COPY).

The authoritative reference and input builder live on the scoring server;
editing this copy changes nothing except your own understanding.
"""

import jax, jax.numpy as jnp
import numpy as np

PCR = [-51.2, -51.2, -5.0, 51.2, 51.2, 3.0]


def setup_inputs(seed: int = 0) -> dict:
    key = jax.random.key(seed)
    k1, k2 = jax.random.split(key)
    boxes_3d = jax.random.normal(k1, (4, 4096, 7), dtype=jnp.float32)
    bev_features = jax.random.normal(k2, (4, 384, 224, 224), dtype=jnp.float32)
    return {"boxes_3d": boxes_3d, "bev_features": bev_features}


def _grid_sample_points(feat, xs, ys):
    # feat: [C, H, W]; xs, ys: [N] normalized coords in [-1, 1]
    # bilinear, padding_mode='zeros', align_corners=True
    C, H, W = feat.shape
    ix = (xs + 1.0) * 0.5 * (W - 1)
    iy = (ys + 1.0) * 0.5 * (H - 1)
    x0 = jnp.floor(ix)
    y0 = jnp.floor(iy)
    x1 = x0 + 1.0
    y1 = y0 + 1.0
    wx1 = ix - x0
    wx0 = 1.0 - wx1
    wy1 = iy - y0
    wy0 = 1.0 - wy1

    def corner(xc, yc, w):
        valid = (xc >= 0) & (xc <= W - 1) & (yc >= 0) & (yc <= H - 1)
        xi = jnp.clip(xc, 0, W - 1).astype(jnp.int32)
        yi = jnp.clip(yc, 0, H - 1).astype(jnp.int32)
        v = feat[:, yi, xi]  # [C, N] gather
        return v * (w * valid.astype(feat.dtype))[None, :]

    out = (corner(x0, y0, wx0 * wy0) + corner(x1, y0, wx1 * wy0)
           + corner(x0, y1, wx0 * wy1) + corner(x1, y1, wx1 * wy1))
    return out  # [C, N]


def reference(boxes_3d, bev_features):
    # boxes3d_to_rois: select [x, y, l, w, theta] -> (B, N, 5)
    idx = jnp.array([0, 1, 3, 4, 6])
    rois = boxes_3d[:, :, idx]
    min_x, min_y = PCR[0], PCR[1]
    max_x, max_y = PCR[3], PCR[4]
    cx = (rois[:, :, 0] - min_x) / (max_x - min_x) * 2.0 - 1.0
    cy = (rois[:, :, 1] - min_y) / (max_y - min_y) * 2.0 - 1.0

    def per_batch(feat, xs, ys):
        rf = _grid_sample_points(feat, xs, ys)  # [C, N]
        return rf.T  # [N, C]

    roi_features = jax.vmap(per_batch)(bev_features, cx, cy)  # (B, N, C)
    B, N = rois.shape[0], rois.shape[1]
    roi_features = roi_features.reshape(B, N, -1)
    return (rois, roi_features)

if __name__ == "__main__":
    import jax
    _d = setup_inputs()
    print(jax.jit(kernel)(*tuple(_d.values())))

</pallas_src>

<mosaic_0001>
#map = affine_map<(d0, d1) -> (0, 0)>
#map1 = affine_map<(d0, d1) -> (0, 0, 0)>
module attributes {stable_mosaic.version = 14 : i64} {
  func.func @_sc_sample(%arg0: i32, %arg1: i32, %arg2: memref<4x4096xf32, #tpu.memory_space<hbm>>, %arg3: memref<4x4096xf32, #tpu.memory_space<hbm>>, %arg4: memref<200704x384xf32, #tpu.memory_space<hbm>>, %arg5: memref<4x4096x384xf32, #tpu.memory_space<hbm>>, %arg6: memref<512xf32, #tpu.memory_space<vmem>>, %arg7: memref<512xf32, #tpu.memory_space<vmem>>, %arg8: memref<32x64xi32, #tpu.memory_space<vmem>>, %arg9: memref<512xf32, #tpu.memory_space<vmem>>, %arg10: memref<512xf32, #tpu.memory_space<vmem>>, %arg11: memref<512xf32, #tpu.memory_space<vmem>>, %arg12: memref<512xf32, #tpu.memory_space<vmem>>, %arg13: memref<64x384xf32, #tpu.memory_space<vmem>>, %arg14: memref<16x384xf32, #tpu.memory_space<vmem>>, %arg15: memref<!tpu.dma_semaphore, #tpu.memory_space<semaphore_mem>>) attributes {dimension_semantics = [#tpu.dimension_semantics<core_parallel>, #tpu.dimension_semantics<subcore_parallel>], iteration_bounds = array<i64: 2, 16>, scalar_prefetch = 0 : i64, scratch_operands = 10 : i64, tpu.core_type = #tpu.core_type<sc_vector_subcore>, window_params = [{transform_indices = #map}, {transform_indices = #map}, {transform_indices = #map}, {transform_indices = #map1}]} {
    %mul3A = arith.constant 2 : i32
    %mul3A_0 = arith.muli %arg1, %mul3A : i32
    %add3A = arith.addi %mul3A_0, %arg0 : i32
    %jit3A = arith.constant 8 : i32
    %div3A = arith.divsi %add3A, %jit3A : i32
    %sign3A = arith.constant 0 : i32
    %sign3A_1 = arith.cmpi sgt, %add3A, %sign3A : i32
    %sign3A_2 = arith.extui %sign3A_1 : i1 to i32
    %sign3A_3 = arith.constant 0 : i32
    %sign3A_4 = arith.cmpi slt, %add3A, %sign3A_3 : i32
    %sign3A_5 = arith.extui %sign3A_4 : i1 to i32
    %sign3A_6 = arith.subi %sign3A_2, %sign3A_5 : i32
    %sign3A_7 = arith.constant 0 : i32
    %sign3A_8 = arith.cmpi sgt, %jit3A, %sign3A_7 : i32
    %sign3A_9 = arith.extui %sign3A_8 : i1 to i32
    %sign3A_10 = arith.constant 0 : i32
    %sign3A_11 = arith.cmpi slt, %jit3A, %sign3A_10 : i32
    %sign3A_12 = arith.extui %sign3A_11 : i1 to i32
    %sign3A_13 = arith.subi %sign3A_9, %sign3A_12 : i32
    %ne3A = arith.cmpi ne, %sign3A_6, %sign3A_13 : i32
    %rem3A = arith.remsi %add3A, %jit3A : i32
    %ne3A_14 = arith.constant 0 : i32
    %ne3A_15 = arith.cmpi ne, %rem3A, %ne3A_14 : i32
    %and3A = arith.andi %ne3A, %ne3A_15 : i1
    %sub3A = arith.constant 1 : i32
    %sub3A_16 = arith.subi %div3A, %sub3A : i32
    %select_n3A = arith.select %and3A, %sub3A_16, %div3A : i32
    %jit3A_17 = arith.constant 8 : i32
    %eq3A = arith.constant 0 : i32
    %eq3A_18 = arith.cmpi eq, %jit3A_17, %eq3A : i32
    %jit3A_19 = arith.constant 1 : i32
    %select_n3A_20 = arith.select %eq3A_18, %jit3A_19, %jit3A_17 : i32
    %rem3A_21 = arith.remsi %add3A, %select_n3A_20 : i32
    %ne3A_22 = arith.constant 0 : i32
    %ne3A_23 = arith.cmpi ne, %rem3A_21, %ne3A_22 : i32
    %lt3A = arith.constant 0 : i32
    %lt3A_24 = arith.cmpi slt, %rem3A_21, %lt3A : i32
    %lt3A_25 = arith.constant 0 : i32
    %lt3A_26 = arith.cmpi slt, %select_n3A_20, %lt3A_25 : i32
    %ne3A_27 = arith.xori %lt3A_24, %lt3A_26 : i1
    %and3A_28 = arith.andi %ne3A_27, %ne3A_23 : i1
    %add3A_29 = arith.addi %rem3A_21, %select_n3A_20 : i32
    %select_n3A_30 = arith.select %and3A_28, %add3A_29, %rem3A_21 : i32
    %mul3A_31 = arith.constant 512 : i32
    %mul3A_32 = arith.muli %select_n3A_30, %mul3A_31 : i32
    %mul3A_33 = arith.constant 50176 : i32
    %mul3A_34 = arith.muli %select_n3A, %mul3A_33 : i32
    "tpu.region"() ({
      %run_scoped3A = tpu.sem_alloc : memref<!tpu.dma_semaphore, #tpu.memory_space<semaphore_mem>>
      %dma_start3A = tpu.memref_slice %arg2[%select_n3A, %mul3A_32] : memref<4x4096xf32, #tpu.memory_space<hbm>> -> memref<1x512xf32, #tpu.memory_space<hbm>>
      %dma_start3A_46 = tpu.memref_squeeze %dma_start3A : memref<1x512xf32, #tpu.memory_space<hbm>> -> memref<512xf32, #tpu.memory_space<hbm>>
      %dma_start3A_47 = tpu.memref_slice %arg2[%select_n3A, %mul3A_32] : memref<4x4096xf32, #tpu.memory_space<hbm>> -> memref<1x512xf32, #tpu.memory_space<hbm>>
      %dma_start3A_48 = tpu.memref_squeeze %dma_start3A_47 : memref<1x512xf32, #tpu.memory_space<hbm>> -> memref<512xf32, #tpu.memory_space<hbm>>
      tpu.enqueue_dma source(%dma_start3A_48 : memref<512xf32, #tpu.memory_space<hbm>>) target(%arg6 : memref<512xf32, #tpu.memory_space<vmem>>) target_semaphore(%run_scoped3A : memref<!tpu.dma_semaphore, #tpu.memory_space<semaphore_mem>>)
      %dma_wait3A = tpu.memref_slice %arg2[%select_n3A, %mul3A_32] : memref<4x4096xf32, #tpu.memory_space<hbm>> -> memref<1x512xf32, #tpu.memory_space<hbm>>
      %dma_wait3A_49 = tpu.memref_squeeze %dma_wait3A : memref<1x512xf32, #tpu.memory_space<hbm>> -> memref<512xf32, #tpu.memory_space<hbm>>
      %dma_wait3A_50 = tpu.memref_slice %arg2[%select_n3A, %mul3A_32] : memref<4x4096xf32, #tpu.memory_space<hbm>> -> memref<1x512xf32, #tpu.memory_space<hbm>>
      %dma_wait3A_51 = tpu.memref_squeeze %dma_wait3A_50 : memref<1x512xf32, #tpu.memory_space<hbm>> -> memref<512xf32, #tpu.memory_space<hbm>>
      tpu.wait_dma2 semaphore(%run_scoped3A : memref<!tpu.dma_semaphore, #tpu.memory_space<semaphore_mem>>) src(%dma_wait3A_51 : memref<512xf32, #tpu.memory_space<hbm>>) dst(%arg6 : memref<512xf32, #tpu.memory_space<vmem>>)
      tpu.yield
    }) : () -> ()
    "tpu.region"() ({
      %run_scoped3A = tpu.sem_alloc : memref<!tpu.dma_semaphore, #tpu.memory_space<semaphore_mem>>
      %dma_start3A = tpu.memref_slice %arg3[%select_n3A, %mul3A_32] : memref<4x4096xf32, #tpu.memory_space<hbm>> -> memref<1x512xf32, #tpu.memory_space<hbm>>
      %dma_start3A_46 = tpu.memref_squeeze %dma_start3A : memref<1x512xf32, #tpu.memory_space<hbm>> -> memref<512xf32, #tpu.memory_space<hbm>>
      %dma_start3A_47 = tpu.memref_slice %arg3[%select_n3A, %mul3A_32] : memref<4x4096xf32, #tpu.memory_space<hbm>> -> memref<1x512xf32, #tpu.memory_space<hbm>>
      %dma_start3A_48 = tpu.memref_squeeze %dma_start3A_47 : memref<1x512xf32, #tpu.memory_space<hbm>> -> memref<512xf32, #tpu.memory_space<hbm>>
      tpu.enqueue_dma source(%dma_start3A_48 : memref<512xf32, #tpu.memory_space<hbm>>) target(%arg7 : memref<512xf32, #tpu.memory_space<vmem>>) target_semaphore(%run_scoped3A : memref<!tpu.dma_semaphore, #tpu.memory_space<semaphore_mem>>)
      %dma_wait3A = tpu.memref_slice %arg3[%select_n3A, %mul3A_32] : memref<4x4096xf32, #tpu.memory_space<hbm>> -> memref<1x512xf32, #tpu.memory_space<hbm>>
      %dma_wait3A_49 = tpu.memref_squeeze %dma_wait3A : memref<1x512xf32, #tpu.memory_space<hbm>> -> memref<512xf32, #tpu.memory_space<hbm>>
      %dma_wait3A_50 = tpu.memref_slice %arg3[%select_n3A, %mul3A_32] : memref<4x4096xf32, #tpu.memory_space<hbm>> -> memref<1x512xf32, #tpu.memory_space<hbm>>
      %dma_wait3A_51 = tpu.memref_squeeze %dma_wait3A_50 : memref<1x512xf32, #tpu.memory_space<hbm>> -> memref<512xf32, #tpu.memory_space<hbm>>
      tpu.wait_dma2 semaphore(%run_scoped3A : memref<!tpu.dma_semaphore, #tpu.memory_space<semaphore_mem>>) src(%dma_wait3A_51 : memref<512xf32, #tpu.memory_space<hbm>>) dst(%arg7 : memref<512xf32, #tpu.memory_space<vmem>>)
      tpu.yield
    }) : () -> ()
    %iota3A = tpu.iota {dimensions = array<i32: 0>} : vector<16xi32>
    %scan3A = arith.constant 0 : i32
    %scan3A_35 = arith.constant 0 : i32
    %scan3A_36 = arith.constant 32 : i32
    %scan3A_37 = arith.addi %scan3A_35, %scan3A_36 : i32
    %scan3A_38 = arith.constant 1 : i32
    scf.for %scan3A_46 = %scan3A_35 to %scan3A_37 step %scan3A_38  : i32 {
      %mul3A_47 = arith.constant 16 : i32
      %mul3A_48 = arith.muli %scan3A_46, %mul3A_47 : i32
      %get3A = arith.index_cast %mul3A_48 : i32 to index
      %get3A_49 = tpu.vector_load %arg6[%get3A] {strides = array<i32>} : memref<512xf32, #tpu.memory_space<vmem>>, vector<16xf32>,
      %sub3A_50 = arith.constant -5.120000e+01 : f32
      %sub3A_51 = vector.broadcast %sub3A_50 : f32 to vector<16xf32>
      %sub3A_52 = arith.subf %get3A_49, %sub3A_51 : vector<16xf32>
      %mul3A_53 = arith.constant 2.17773438 : f32
      %mul3A_54 = vector.broadcast %mul3A_53 : f32 to vector<16xf32>
      %mul3A_55 = arith.mulf %sub3A_52, %mul3A_54 : vector<16xf32>
      %get3A_56 = arith.index_cast %mul3A_48 : i32 to index
      %get3A_57 = tpu.vector_load %arg7[%get3A_56] {strides = array<i32>} : memref<512xf32, #tpu.memory_space<vmem>>, vector<16xf32>,
      %sub3A_58 = arith.constant -5.120000e+01 : f32
      %sub3A_59 = vector.broadcast %sub3A_58 : f32 to vector<16xf32>
      %sub3A_60 = arith.subf %get3A_57, %sub3A_59 : vector<16xf32>
      %mul3A_61 = arith.constant 2.17773438 : f32
      %mul3A_62 = vector.broadcast %mul3A_61 : f32 to vector<16xf32>
      %mul3A_63 = arith.mulf %sub3A_60, %mul3A_62 : vector<16xf32>
      %jit3A_64 = arith.constant -8.000000e+00 : f32
      %jit3A_65 = arith.constant 2.320000e+02 : f32
      %max3A = vector.broadcast %jit3A_64 : f32 to vector<16xf32>
      %max3A_66 = arith.maximumf %max3A, %mul3A_55 : vector<16xf32>
      %min3A = vector.broadcast %jit3A_65 : f32 to vector<16xf32>
      %min3A_67 = arith.minimumf %min3A, %max3A_66 : vector<16xf32>
      %convert_element_type3A = arith.fptosi %min3A_67 : vector<16xf32> to vector<16xi32>
      %convert_element_type3A_68 = arith.sitofp %convert_element_type3A : vector<16xi32> to vector<16xf32>
      %gt3A = arith.cmpf ogt, %convert_element_type3A_68, %min3A_67 : vector<16xf32>
      %sub3A_69 = arith.constant 1.000000e+00 : f32
      %sub3A_70 = vector.broadcast %sub3A_69 : f32 to vector<16xf32>
      %sub3A_71 = arith.subf %convert_element_type3A_68, %sub3A_70 : vector<16xf32>
      %select_n3A_72 = arith.select %gt3A, %sub3A_71, %convert_element_type3A_68 : vector<16xi1>, vector<16xf32>
      %sub3A_73 = arith.subf %min3A_67, %select_n3A_72 : vector<16xf32>
      %ge3A = arith.constant 0.000000e+00 : f32
      %ge3A_74 = vector.broadcast %ge3A : f32 to vector<16xf32>
      %ge3A_75 = arith.cmpf oge, %select_n3A_72, %ge3A_74 : vector<16xf32>
      %le3A = arith.constant 2.230000e+02 : f32
      %le3A_76 = vector.broadcast %le3A : f32 to vector<16xf32>
      %le3A_77 = arith.cmpf ole, %select_n3A_72, %le3A_76 : vector<16xf32>
      %and3A_78 = arith.andi %ge3A_75, %le3A_77 : vector<16xi1>
      %sub3A_79 = arith.constant 1.000000e+00 : f32
      %sub3A_80 = vector.broadcast %sub3A_79 : f32 to vector<16xf32>
      %sub3A_81 = arith.subf %sub3A_80, %sub3A_73 : vector<16xf32>
      %jit3A_82 = arith.constant 0.000000e+00 : f32
      %broadcast_in_dim3A = vector.broadcast %jit3A_82 : f32 to vector<16xf32>
      %select_n3A_83 = arith.select %and3A_78, %sub3A_81, %broadcast_in_dim3A : vector<16xi1>, vector<16xf32>
      %ge3A_84 = arith.constant -1.000000e+00 : f32
      %ge3A_85 = vector.broadcast %ge3A_84 : f32 to vector<16xf32>
      %ge3A_86 = arith.cmpf oge, %select_n3A_72, %ge3A_85 : vector<16xf32>
      %le3A_87 = arith.constant 2.220000e+02 : f32
      %le3A_88 = vector.broadcast %le3A_87 : f32 to vector<16xf32>
      %le3A_89 = arith.cmpf ole, %select_n3A_72, %le3A_88 : vector<16xf32>
      %and3A_90 = arith.andi %ge3A_86, %le3A_89 : vector<16xi1>
      %jit3A_91 = arith.constant 0.000000e+00 : f32
      %broadcast_in_dim3A_92 = vector.broadcast %jit3A_91 : f32 to vector<16xf32>
      %select_n3A_93 = arith.select %and3A_90, %sub3A_73, %broadcast_in_dim3A_92 : vector<16xi1>, vector<16xf32>
      %jit3A_94 = arith.constant 0.000000e+00 : f32
      %jit3A_95 = arith.constant 2.230000e+02 : f32
      %max3A_96 = vector.broadcast %jit3A_94 : f32 to vector<16xf32>
      %max3A_97 = arith.maximumf %max3A_96, %select_n3A_72 : vector<16xf32>
      %min3A_98 = vector.broadcast %jit3A_95 : f32 to vector<16xf32>
      %min3A_99 = arith.minimumf %min3A_98, %max3A_97 : vector<16xf32>
      %convert_element_type3A_100 = arith.fptosi %min3A_99 : vector<16xf32> to vector<16xi32>
      %add3A_101 = arith.constant 1.000000e+00 : f32
      %add3A_102 = vector.broadcast %add3A_101 : f32 to vector<16xf32>
      %add3A_103 = arith.addf %select_n3A_72, %add3A_102 : vector<16xf32>
      %jit3A_104 = arith.constant 0.000000e+00 : f32
      %jit3A_105 = arith.constant 2.230000e+02 : f32
      %max3A_106 = vector.broadcast %jit3A_104 : f32 to vector<16xf32>
      %max3A_107 = arith.maximumf %max3A_106, %add3A_103 : vector<16xf32>
      %min3A_108 = vector.broadcast %jit3A_105 : f32 to vector<16xf32>
      %min3A_109 = arith.minimumf %min3A_108, %max3A_107 : vector<16xf32>
      %convert_element_type3A_110 = arith.fptosi %min3A_109 : vector<16xf32> to vector<16xi32>
      %jit3A_111 = arith.constant -8.000000e+00 : f32
      %jit3A_112 = arith.constant 2.320000e+02 : f32
      %max3A_113 = vector.broadcast %jit3A_111 : f32 to vector<16xf32>
      %max3A_114 = arith.maximumf %max3A_113, %mul3A_63 : vector<16xf32>
      %min3A_115 = vector.broadcast %jit3A_112 : f32 to vector<16xf32>
      %min3A_116 = arith.minimumf %min3A_115, %max3A_114 : vector<16xf32>
      %convert_element_type3A_117 = arith.fptosi %min3A_116 : vector<16xf32> to vector<16xi32>
      %convert_element_type3A_118 = arith.sitofp %convert_element_type3A_117 : vector<16xi32> to vector<16xf32>
      %gt3A_119 = arith.cmpf ogt, %convert_element_type3A_118, %min3A_116 : vector<16xf32>
      %sub3A_120 = arith.constant 1.000000e+00 : f32
      %sub3A_121 = vector.broadcast %sub3A_120 : f32 to vector<16xf32>
      %sub3A_122 = arith.subf %convert_element_type3A_118, %sub3A_121 : vector<16xf32>
      %select_n3A_123 = arith.select %gt3A_119, %sub3A_122, %convert_element_type3A_118 : vector<16xi1>, vector<16xf32>
      %sub3A_124 = arith.subf %min3A_116, %select_n3A_123 : vector<16xf32>
      %ge3A_125 = arith.constant 0.000000e+00 : f32
      %ge3A_126 = vector.broadcast %ge3A_125 : f32 to vector<16xf32>
      %ge3A_127 = arith.cmpf oge, %select_n3A_123, %ge3A_126 : vector<16xf32>
      %le3A_128 = arith.constant 2.230000e+02 : f32
      %le3A_129 = vector.broadcast %le3A_128 : f32 to vector<16xf32>
      %le3A_130 = arith.cmpf ole, %select_n3A_123, %le3A_129 : vector<16xf32>
      %and3A_131 = arith.andi %ge3A_127, %le3A_130 : vector<16xi1>
      %sub3A_132 = arith.constant 1.000000e+00 : f32
      %sub3A_133 = vector.broadcast %sub3A_132 : f32 to vector<16xf32>
      %sub3A_134 = arith.subf %sub3A_133, %sub3A_124 : vector<16xf32>
      %jit3A_135 = arith.constant 0.000000e+00 : f32
      %broadcast_in_dim3A_136 = vector.broadcast %jit3A_135 : f32 to vector<16xf32>
      %select_n3A_137 = arith.select %and3A_131, %sub3A_134, %broadcast_in_dim3A_136 : vector<16xi1>, vector<16xf32>
      %ge3A_138 = arith.constant -1.000000e+00 : f32
      %ge3A_139 = vector.broadcast %ge3A_138 : f32 to vector<16xf32>
      %ge3A_140 = arith.cmpf oge, %select_n3A_123, %ge3A_139 : vector<16xf32>
      %le3A_141 = arith.constant 2.220000e+02 : f32
      %le3A_142 = vector.broadcast %le3A_141 : f32 to vector<16xf32>
      %le3A_143 = arith.cmpf ole, %select_n3A_123, %le3A_142 : vector<16xf32>
      %and3A_144 = arith.andi %ge3A_140, %le3A_143 : vector<16xi1>
      %jit3A_145 = arith.constant 0.000000e+00 : f32
      %broadcast_in_dim3A_146 = vector.broadcast %jit3A_145 : f32 to vector<16xf32>
      %select_n3A_147 = arith.select %and3A_144, %sub3A_124, %broadcast_in_dim3A_146 : vector<16xi1>, vector<16xf32>
      %jit3A_148 = arith.constant 0.000000e+00 : f32
      %jit3A_149 = arith.constant 2.230000e+02 : f32
      %max3A_150 = vector.broadcast %jit3A_148 : f32 to vector<16xf32>
      %max3A_151 = arith.maximumf %max3A_150, %select_n3A_123 : vector<16xf32>
      %min3A_152 = vector.broadcast %jit3A_149 : f32 to vector<16xf32>
      %min3A_153 = arith.minimumf %min3A_152, %max3A_151 : vector<16xf32>
      %convert_element_type3A_154 = arith.fptosi %min3A_153 : vector<16xf32> to vector<16xi32>
      %add3A_155 = arith.constant 1.000000e+00 : f32
      %add3A_156 = vector.broadcast %add3A_155 : f32 to vector<16xf32>
      %add3A_157 = arith.addf %select_n3A_123, %add3A_156 : vector<16xf32>
      %jit3A_158 = arith.constant 0.000000e+00 : f32
      %jit3A_159 = arith.constant 2.230000e+02 : f32
      %max3A_160 = vector.broadcast %jit3A_158 : f32 to vector<16xf32>
      %max3A_161 = arith.maximumf %max3A_160, %add3A_157 : vector<16xf32>
      %min3A_162 = vector.broadcast %jit3A_159 : f32 to vector<16xf32>
      %min3A_163 = arith.minimumf %min3A_162, %max3A_161 : vector<16xf32>
      %convert_element_type3A_164 = arith.fptosi %min3A_163 : vector<16xf32> to vector<16xi32>
      %broadcast_in_dim3A_165 = arith.constant 0 : i32
      %broadcast_in_dim3A_166 = vector.broadcast %broadcast_in_dim3A_165 : i32 to vector<16xi32>
      %add3A_167 = vector.broadcast %scan3A_46 : i32 to vector<16xi32>
      %add3A_168 = arith.addi %broadcast_in_dim3A_166, %add3A_167 : vector<16xi32>
      %mul3A_169 = arith.constant 4 : i32
      %mul3A_170 = vector.broadcast %mul3A_169 : i32 to vector<16xi32>
      %mul3A_171 = arith.muli %iota3A, %mul3A_170 : vector<16xi32>
      %mul3A_172 = arith.constant 224 : i32
      %mul3A_173 = vector.broadcast %mul3A_172 : i32 to vector<16xi32>
      %mul3A_174 = arith.muli %convert_element_type3A_154, %mul3A_173 : vector<16xi32>
      %add3A_175 = vector.broadcast %mul3A_34 : i32 to vector<16xi32>
      %add3A_176 = arith.addi %add3A_175, %mul3A_174 : vector<16xi32>
      %mul3A_177 = arith.constant 224 : i32
      %mul3A_178 = vector.broadcast %mul3A_177 : i32 to vector<16xi32>
      %mul3A_179 = arith.muli %convert_element_type3A_164, %mul3A_178 : vector<16xi32>
      %add3A_180 = vector.broadcast %mul3A_34 : i32 to vector<16xi32>
      %add3A_181 = arith.addi %add3A_180, %mul3A_179 : vector<16xi32>
      %add3A_182 = arith.addi %add3A_176, %convert_element_type3A_100 : vector<16xi32>
      tpu.vector_store_idx %arg8[%add3A_168, %mul3A_171], %add3A_182 : memref<32x64xi32, #tpu.memory_space<vmem>>[vector<16xi32>, vector<16xi32>], vector<16xi32>,
      %add3A_183 = arith.constant 1 : i32
      %add3A_184 = vector.broadcast %add3A_183 : i32 to vector<16xi32>
      %add3A_185 = arith.addi %mul3A_171, %add3A_184 : vector<16xi32>
      %add3A_186 = arith.addi %add3A_176, %convert_element_type3A_110 : vector<16xi32>
      tpu.vector_store_idx %arg8[%add3A_168, %add3A_185], %add3A_186 : memref<32x64xi32, #tpu.memory_space<vmem>>[vector<16xi32>, vector<16xi32>], vector<16xi32>,
      %add3A_187 = arith.constant 2 : i32
      %add3A_188 = vector.broadcast %add3A_187 : i32 to vector<16xi32>
      %add3A_189 = arith.addi %mul3A_171, %add3A_188 : vector<16xi32>
      %add3A_190 = arith.addi %add3A_181, %convert_element_type3A_100 : vector<16xi32>
      tpu.vector_store_idx %arg8[%add3A_168, %add3A_189], %add3A_190 : memref<32x64xi32, #tpu.memory_space<vmem>>[vector<16xi32>, vector<16xi32>], vector<16xi32>,
      %add3A_191 = arith.constant 3 : i32
      %add3A_192 = vector.broadcast %add3A_191 : i32 to vector<16xi32>
      %add3A_193 = arith.addi %mul3A_171, %add3A_192 : vector<16xi32>
      %add3A_194 = arith.addi %add3A_181, %convert_element_type3A_110 : vector<16xi32>
      tpu.vector_store_idx %arg8[%add3A_168, %add3A_193], %add3A_194 : memref<32x64xi32, #tpu.memory_space<vmem>>[vector<16xi32>, vector<16xi32>], vector<16xi32>,
      %swap3A = arith.index_cast %mul3A_48 : i32 to index
      %swap3A_195 = tpu.vector_load %arg9[%swap3A] {strides = array<i32>} : memref<512xf32, #tpu.memory_space<vmem>>, vector<16xf32>,
      tpu.vector_store %arg9[%swap3A], %select_n3A_83 {strides = array<i32>} : memref<512xf32, #tpu.memory_space<vmem>>, vector<16xf32>,
      %swap3A_196 = arith.index_cast %mul3A_48 : i32 to index
      %swap3A_197 = tpu.vector_load %arg10[%swap3A_196] {strides = array<i32>} : memref<512xf32, #tpu.memory_space<vmem>>, vector<16xf32>,
      tpu.vector_store %arg10[%swap3A_196], %select_n3A_93 {strides = array<i32>} : memref<512xf32, #tpu.memory_space<vmem>>, vector<16xf32>,
      %swap3A_198 = arith.index_cast %mul3A_48 : i32 to index
      %swap3A_199 = tpu.vector_load %arg11[%swap3A_198] {strides = array<i32>} : memref<512xf32, #tpu.memory_space<vmem>>, vector<16xf32>,
      tpu.vector_store %arg11[%swap3A_198], %select_n3A_137 {strides = array<i32>} : memref<512xf32, #tpu.memory_space<vmem>>, vector<16xf32>,
      %swap3A_200 = arith.index_cast %mul3A_48 : i32 to index
      %swap3A_201 = tpu.vector_load %arg12[%swap3A_200] {strides = array<i32>} : memref<512xf32, #tpu.memory_space<vmem>>, vector<16xf32>,
      tpu.vector_store %arg12[%swap3A_200], %select_n3A_147 {strides = array<i32>} : memref<512xf32, #tpu.memory_space<vmem>>, vector<16xf32>,
    }
    %scan3A_39 = arith.constant 32 : i32
    %scan3A_40 = arith.constant 0 : i32
    %scan3A_41 = arith.constant 0 : i32
    %scan3A_42 = arith.constant 32 : i32
    %scan3A_43 = arith.addi %scan3A_41, %scan3A_42 : i32
    %scan3A_44 = arith.constant 1 : i32
    scf.for %scan3A_46 = %scan3A_41 to %scan3A_43 step %scan3A_44  : i32 {
      %dma_start3A = arith.constant 0 : i32
      %dma_start3A_47 = tpu.memref_slice %arg8[%scan3A_46, %dma_start3A] : memref<32x64xi32, #tpu.memory_space<vmem>> -> memref<1x64xi32, #tpu.memory_space<vmem>>
      %dma_start3A_48 = tpu.memref_squeeze %dma_start3A_47 : memref<1x64xi32, #tpu.memory_space<vmem>> -> memref<64xi32, #tpu.memory_space<vmem>>
      %dma_start3A_49 = arith.constant 0 : i32
      %dma_start3A_50 = arith.constant 0 : i32
      %dma_start3A_51 = tpu.memref_slice %arg4[%dma_start3A_49, %dma_start3A_50] : memref<200704x384xf32, #tpu.memory_space<hbm>> -> memref<200704x384xf32, #tpu.memory_space<hbm>>
      tpu.enqueue_indirect_dma source(%dma_start3A_51 : memref<200704x384xf32, #tpu.memory_space<hbm>>) target(%arg13 : memref<64x384xf32, #tpu.memory_space<vmem>>) offsets(%dma_start3A_48 : memref<64xi32, #tpu.memory_space<vmem>>) semaphore(%arg15 : memref<!tpu.dma_semaphore, #tpu.memory_space<semaphore_mem>>)
      %dma_wait3A = arith.constant 0 : i32
      %dma_wait3A_52 = tpu.memref_slice %arg8[%scan3A_46, %dma_wait3A] : memref<32x64xi32, #tpu.memory_space<vmem>> -> memref<1x64xi32, #tpu.memory_space<vmem>>
      %dma_wait3A_53 = tpu.memref_squeeze %dma_wait3A_52 : memref<1x64xi32, #tpu.memory_space<vmem>> -> memref<64xi32, #tpu.memory_space<vmem>>
      %dma_wait3A_54 = arith.constant 0 : i32
      %dma_wait3A_55 = arith.constant 0 : i32
      %dma_wait3A_56 = tpu.memref_slice %arg4[%dma_wait3A_54, %dma_wait3A_55] : memref<200704x384xf32, #tpu.memory_space<hbm>> -> memref<200704x384xf32, #tpu.memory_space<hbm>>
      tpu.wait_indirect_dma semaphore(%arg15 : memref<!tpu.dma_semaphore, #tpu.memory_space<semaphore_mem>>) src(%dma_wait3A_56 : memref<200704x384xf32, #tpu.memory_space<hbm>>) dst(%arg13 : memref<64x384xf32, #tpu.memory_space<vmem>>)
      %broadcast_in_dim3A = arith.constant 0 : i32
      %broadcast_in_dim3A_57 = vector.broadcast %broadcast_in_dim3A : i32 to vector<16xi32>
      %mul3A_58 = arith.constant 16 : i32
      %mul3A_59 = arith.muli %scan3A_46, %mul3A_58 : i32
      %add3A_60 = arith.constant 0 : i32
      %add3A_61 = arith.addi %mul3A_59, %add3A_60 : i32
      %add3A_62 = vector.broadcast %add3A_61 : i32 to vector<16xi32>
      %add3A_63 = arith.addi %broadcast_in_dim3A_57, %add3A_62 : vector<16xi32>
      %gather3A = tpu.vector_load_idx %arg9[%add3A_63] : memref<512xf32, #tpu.memory_space<vmem>>[vector<16xi32>], vector<16xf32>,
      %gather3A_64 = tpu.vector_load_idx %arg10[%add3A_63] : memref<512xf32, #tpu.memory_space<vmem>>[vector<16xi32>], vector<16xf32>,
      %gather3A_65 = tpu.vector_load_idx %arg11[%add3A_63] : memref<512xf32, #tpu.memory_space<vmem>>[vector<16xi32>], vector<16xf32>,
      %gather3A_66 = tpu.vector_load_idx %arg12[%add3A_63] : memref<512xf32, #tpu.memory_space<vmem>>[vector<16xi32>], vector<16xf32>,
      %scan3A_67 = arith.constant 0 : i32
      %scan3A_68 = arith.constant 0 : i32
      %scan3A_69 = arith.constant 24 : i32
      %scan3A_70 = arith.addi %scan3A_68, %scan3A_69 : i32
      %scan3A_71 = arith.constant 1 : i32
      scf.for %scan3A_346 = %scan3A_68 to %scan3A_70 step %scan3A_71  : i32 {
        %mul3A_347 = arith.constant 16 : i32
        %mul3A_348 = arith.muli %scan3A_346, %mul3A_347 : i32
        %get3A = arith.constant 0 : i32
        %get3A_349 = arith.index_cast %get3A : i32 to index
        %get3A_350 = arith.index_cast %mul3A_348 : i32 to index
        %get3A_351 = tpu.vector_load %arg13[%get3A_349, %get3A_350] {strides = array<i32>} : memref<64x384xf32, #tpu.memory_space<vmem>>, vector<16xf32>,
        %mul3A_352 = arith.mulf %gather3A, %get3A_351 : vector<16xf32>
        %get3A_353 = arith.constant 1 : i32
        %get3A_354 = arith.index_cast %get3A_353 : i32 to index
        %get3A_355 = arith.index_cast %mul3A_348 : i32 to index
        %get3A_356 = tpu.vector_load %arg13[%get3A_354, %get3A_355] {strides = array<i32>} : memref<64x384xf32, #tpu.memory_space<vmem>>, vector<16xf32>,
        %mul3A_357 = arith.mulf %gather3A_64, %get3A_356 : vector<16xf32>
        %add3A_358 = arith.addf %mul3A_352, %mul3A_357 : vector<16xf32>
        %get3A_359 = arith.constant 2 : i32
        %get3A_360 = arith.index_cast %get3A_359 : i32 to index
        %get3A_361 = arith.index_cast %mul3A_348 : i32 to index
        %get3A_362 = tpu.vector_load %arg13[%get3A_360, %get3A_361] {strides = array<i32>} : memref<64x384xf32, #tpu.memory_space<vmem>>, vector<16xf32>,
        %mul3A_363 = arith.mulf %gather3A, %get3A_362 : vector<16xf32>
        %get3A_364 = arith.constant 3 : i32
        %get3A_365 = arith.index_cast %get3A_364 : i32 to index
        %get3A_366 = arith.index_cast %mul3A_348 : i32 to index
        %get3A_367 = tpu.vector_load %arg13[%get3A_365, %get3A_366] {strides = array<i32>} : memref<64x384xf32, #tpu.memory_space<vmem>>, vector<16xf32>,
        %mul3A_368 = arith.mulf %gather3A_64, %get3A_367 : vector<16xf32>
        %add3A_369 = arith.addf %mul3A_363, %mul3A_368 : vector<16xf32>
        %mul3A_370 = arith.mulf %gather3A_65, %add3A_358 : vector<16xf32>
        %mul3A_371 = arith.mulf %gather3A_66, %add3A_369 : vector<16xf32>
        %add3A_372 = arith.addf %mul3A_370, %mul3A_371 : vector<16xf32>
        %swap3A = arith.constant 0 : i32
        %swap3A_373 = arith.index_cast %swap3A : i32 to index
        %swap3A_374 = arith.index_cast %mul3A_348 : i32 to index
        %swap3A_375 = tpu.vector_load %arg14[%swap3A_373, %swap3A_374] {strides = array<i32>} : memref<16x384xf32, #tpu.memory_space<vmem>>, vector<16xf32>,
        tpu.vector_store %arg14[%swap3A_373, %swap3A_374], %add3A_372 {strides = array<i32>} : memref<16x384xf32, #tpu.memory_space<vmem>>, vector<16xf32>,
      }
      %scan3A_72 = arith.constant 24 : i32
      %broadcast_in_dim3A_73 = arith.constant 0 : i32
      %broadcast_in_dim3A_74 = vector.broadcast %broadcast_in_dim3A_73 : i32 to vector<16xi32>
      %mul3A_75 = arith.constant 16 : i32
      %mul3A_76 = arith.muli %scan3A_46, %mul3A_75 : i32
      %add3A_77 = arith.constant 1 : i32
      %add3A_78 = arith.addi %mul3A_76, %add3A_77 : i32
      %add3A_79 = vector.broadcast %add3A_78 : i32 to vector<16xi32>
      %add3A_80 = arith.addi %broadcast_in_dim3A_74, %add3A_79 : vector<16xi32>
      %gather3A_81 = tpu.vector_load_idx %arg9[%add3A_80] : memref<512xf32, #tpu.memory_space<vmem>>[vector<16xi32>], vector<16xf32>,
      %gather3A_82 = tpu.vector_load_idx %arg10[%add3A_80] : memref<512xf32, #tpu.memory_space<vmem>>[vector<16xi32>], vector<16xf32>,
      %gather3A_83 = tpu.vector_load_idx %arg11[%add3A_80] : memref<512xf32, #tpu.memory_space<vmem>>[vector<16xi32>], vector<16xf32>,
      %gather3A_84 = tpu.vector_load_idx %arg12[%add3A_80] : memref<512xf32, #tpu.memory_space<vmem>>[vector<16xi32>], vector<16xf32>,
      %scan3A_85 = arith.constant 0 : i32
      %scan3A_86 = arith.constant 0 : i32
      %scan3A_87 = arith.constant 24 : i32
      %scan3A_88 = arith.addi %scan3A_86, %scan3A_87 : i32
      %scan3A_89 = arith.constant 1 : i32
      scf.for %scan3A_346 = %scan3A_86 to %scan3A_88 step %scan3A_89  : i32 {
        %mul3A_347 = arith.constant 16 : i32
        %mul3A_348 = arith.muli %scan3A_346, %mul3A_347 : i32
        %get3A = arith.constant 4 : i32
        %get3A_349 = arith.index_cast %get3A : i32 to index
        %get3A_350 = arith.index_cast %mul3A_348 : i32 to index
        %get3A_351 = tpu.vector_load %arg13[%get3A_349, %get3A_350] {strides = array<i32>} : memref<64x384xf32, #tpu.memory_space<vmem>>, vector<16xf32>,
        %mul3A_352 = arith.mulf %gather3A_81, %get3A_351 : vector<16xf32>
        %get3A_353 = arith.constant 5 : i32
        %get3A_354 = arith.index_cast %get3A_353 : i32 to index
        %get3A_355 = arith.index_cast %mul3A_348 : i32 to index
        %get3A_356 = tpu.vector_load %arg13[%get3A_354, %get3A_355] {strides = array<i32>} : memref<64x384xf32, #tpu.memory_space<vmem>>, vector<16xf32>,
        %mul3A_357 = arith.mulf %gather3A_82, %get3A_356 : vector<16xf32>
        %add3A_358 = arith.addf %mul3A_352, %mul3A_357 : vector<16xf32>
        %get3A_359 = arith.constant 6 : i32
        %get3A_360 = arith.index_cast %get3A_359 : i32 to index
        %get3A_361 = arith.index_cast %mul3A_348 : i32 to index
        %get3A_362 = tpu.vector_load %arg13[%get3A_360, %get3A_361] {strides = array<i32>} : memref<64x384xf32, #tpu.memory_space<vmem>>, vector<16xf32>,
        %mul3A_363 = arith.mulf %gather3A_81, %get3A_362 : vector<16xf32>
        %get3A_364 = arith.constant 7 : i32
        %get3A_365 = arith.index_cast %get3A_364 : i32 to index
        %get3A_366 = arith.index_cast %mul3A_348 : i32 to index
        %get3A_367 = tpu.vector_load %arg13[%get3A_365, %get3A_366] {strides = array<i32>} : memref<64x384xf32, #tpu.memory_space<vmem>>, vector<16xf32>,
        %mul3A_368 = arith.mulf %gather3A_82, %get3A_367 : vector<16xf32>
        %add3A_369 = arith.addf %mul3A_363, %mul3A_368 : vector<16xf32>
        %mul3A_370 = arith.mulf %gather3A_83, %add3A_358 : vector<16xf32>
        %mul3A_371 = arith.mulf %gather3A_84, %add3A_369 : vector<16xf32>
        %add3A_372 = arith.addf %mul3A_370, %mul3A_371 : vector<16xf32>
        %swap3A = arith.constant 1 : i32
        %swap3A_373 = arith.index_cast %swap3A : i32 to index
        %swap3A_374 = arith.index_cast %mul3A_348 : i32 to index
        %swap3A_375 = tpu.vector_load %arg14[%swap3A_373, %swap3A_374] {strides = array<i32>} : memref<16x384xf32, #tpu.memory_space<vmem>>, vector<16xf32>,
        tpu.vector_store %arg14[%swap3A_373, %swap3A_374], %add3A_372 {strides = array<i32>} : memref<16x384xf32, #tpu.memory_space<vmem>>, vector<16xf32>,
      }
      %scan3A_90 = arith.constant 24 : i32
      %broadcast_in_dim3A_91 = arith.constant 0 : i32
      %broadcast_in_dim3A_92 = vector.broadcast %broadcast_in_dim3A_91 : i32 to vector<16xi32>
      %mul3A_93 = arith.constant 16 : i32
      %mul3A_94 = arith.muli %scan3A_46, %mul3A_93 : i32
      %add3A_95 = arith.constant 2 : i32
      %add3A_96 = arith.addi %mul3A_94, %add3A_95 : i32
      %add3A_97 = vector.broadcast %add3A_96 : i32 to vector<16xi32>
      %add3A_98 = arith.addi %broadcast_in_dim3A_92, %add3A_97 : vector<16xi32>
      %gather3A_99 = tpu.vector_load_idx %arg9[%add3A_98] : memref<512xf32, #tpu.memory_space<vmem>>[vector<16xi32>], vector<16xf32>,
      %gather3A_100 = tpu.vector_load_idx %arg10[%add3A_98] : memref<512xf32, #tpu.memory_space<vmem>>[vector<16xi32>], vector<16xf32>,
      %gather3A_101 = tpu.vector_load_idx %arg11[%add3A_98] : memref<512xf32, #tpu.memory_space<vmem>>[vector<16xi32>], vector<16xf32>,
      %gather3A_102 = tpu.vector_load_idx %arg12[%add3A_98] : memref<512xf32, #tpu.memory_space<vmem>>[vector<16xi32>], vector<16xf32>,
      %scan3A_103 = arith.constant 0 : i32
      %scan3A_104 = arith.constant 0 : i32
      %scan3A_105 = arith.constant 24 : i32
      %scan3A_106 = arith.addi %scan3A_104, %scan3A_105 : i32
      %scan3A_107 = arith.constant 1 : i32
      scf.for %scan3A_346 = %scan3A_104 to %scan3A_106 step %scan3A_107  : i32 {
        %mul3A_347 = arith.constant 16 : i32
        %mul3A_348 = arith.muli %scan3A_346, %mul3A_347 : i32
        %get3A = arith.constant 8 : i32
        %get3A_349 = arith.index_cast %get3A : i32 to index
        %get3A_350 = arith.index_cast %mul3A_348 : i32 to index
        %get3A_351 = tpu.vector_load %arg13[%get3A_349, %get3A_350] {strides = array<i32>} : memref<64x384xf32, #tpu.memory_space<vmem>>, vector<16xf32>,
        %mul3A_352 = arith.mulf %gather3A_99, %get3A_351 : vector<16xf32>
        %get3A_353 = arith.constant 9 : i32
        %get3A_354 = arith.index_cast %get3A_353 : i32 to index
        %get3A_355 = arith.index_cast %mul3A_348 : i32 to index
        %get3A_356 = tpu.vector_load %arg13[%get3A_354, %get3A_355] {strides = array<i32>} : memref<64x384xf32, #tpu.memory_space<vmem>>, vector<16xf32>,
        %mul3A_357 = arith.mulf %gather3A_100, %get3A_356 : vector<16xf32>
        %add3A_358 = arith.addf %mul3A_352, %mul3A_357 : vector<16xf32>
        %get3A_359 = arith.constant 10 : i32
        %get3A_360 = arith.index_cast %get3A_359 : i32 to index
        %get3A_361 = arith.index_cast %mul3A_348 : i32 to index
        %get3A_362 = tpu.vector_load %arg13[%get3A_360, %get3A_361] {strides = array<i32>} : memref<64x384xf32, #tpu.memory_space<vmem>>, vector<16xf32>,
        %mul3A_363 = arith.mulf %gather3A_99, %get3A_362 : vector<16xf32>
        %get3A_364 = arith.constant 11 : i32
        %get3A_365 = arith.index_cast %get3A_364 : i32 to index
        %get3A_366 = arith.index_cast %mul3A_348 : i32 to index
        %get3A_367 = tpu.vector_load %arg13[%get3A_365, %get3A_366] {strides = array<i32>} : memref<64x384xf32, #tpu.memory_space<vmem>>, vector<16xf32>,
        %mul3A_368 = arith.mulf %gather3A_100, %get3A_367 : vector<16xf32>
        %add3A_369 = arith.addf %mul3A_363, %mul3A_368 : vector<16xf32>
        %mul3A_370 = arith.mulf %gather3A_101, %add3A_358 : vector<16xf32>
        %mul3A_371 = arith.mulf %gather3A_102, %add3A_369 : vector<16xf32>
        %add3A_372 = arith.addf %mul3A_370, %mul3A_371 : vector<16xf32>
        %swap3A = arith.constant 2 : i32
        %swap3A_373 = arith.index_cast %swap3A : i32 to index
        %swap3A_374 = arith.index_cast %mul3A_348 : i32 to index
        %swap3A_375 = tpu.vector_load %arg14[%swap3A_373, %swap3A_374] {strides = array<i32>} : memref<16x384xf32, #tpu.memory_space<vmem>>, vector<16xf32>,
        tpu.vector_store %arg14[%swap3A_373, %swap3A_374], %add3A_372 {strides = array<i32>} : memref<16x384xf32, #tpu.memory_space<vmem>>, vector<16xf32>,
      }
      %scan3A_108 = arith.constant 24 : i32
      %broadcast_in_dim3A_109 = arith.constant 0 : i32
      %broadcast_in_dim3A_110 = vector.broadcast %broadcast_in_dim3A_109 : i32 to vector<16xi32>
      %mul3A_111 = arith.constant 16 : i32
      %mul3A_112 = arith.muli %scan3A_46, %mul3A_111 : i32
      %add3A_113 = arith.constant 3 : i32
      %add3A_114 = arith.addi %mul3A_112, %add3A_113 : i32
      %add3A_115 = vector.broadcast %add3A_114 : i32 to vector<16xi32>
      %add3A_116 = arith.addi %broadcast_in_dim3A_110, %add3A_115 : vector<16xi32>
      %gather3A_117 = tpu.vector_load_idx %arg9[%add3A_116] : memref<512xf32, #tpu.memory_space<vmem>>[vector<16xi32>], vector<16xf32>,
      %gather3A_118 = tpu.vector_load_idx %arg10[%add3A_116] : memref<512xf32, #tpu.memory_space<vmem>>[vector<16xi32>], vector<16xf32>,
      %gather3A_119 = tpu.vector_load_idx %arg11[%add3A_116] : memref<512xf32, #tpu.memory_space<vmem>>[vector<16xi32>], vector<16xf32>,
      %gather3A_120 = tpu.vector_load_idx %arg12[%add3A_116] : memref<512xf32, #tpu.memory_space<vmem>>[vector<16xi32>], vector<16xf32>,
      %scan3A_121 = arith.constant 0 : i32
      %scan3A_122 = arith.constant 0 : i32
      %scan3A_123 = arith.constant 24 : i32
      %scan3A_124 = arith.addi %scan3A_122, %scan3A_123 : i32
      %scan3A_125 = arith.constant 1 : i32
      scf.for %scan3A_346 = %scan3A_122 to %scan3A_124 step %scan3A_125  : i32 {
        %mul3A_347 = arith.constant 16 : i32
        %mul3A_348 = arith.muli %scan3A_346, %mul3A_347 : i32
        %get3A = arith.constant 12 : i32
        %get3A_349 = arith.index_cast %get3A : i32 to index
        %get3A_350 = arith.index_cast %mul3A_348 : i32 to index
        %get3A_351 = tpu.vector_load %arg13[%get3A_349, %get3A_350] {strides = array<i32>} : memref<64x384xf32, #tpu.memory_space<vmem>>, vector<16xf32>,
        %mul3A_352 = arith.mulf %gather3A_117, %get3A_351 : vector<16xf32>
        %get3A_353 = arith.constant 13 : i32
        %get3A_354 = arith.index_cast %get3A_353 : i32 to index
        %get3A_355 = arith.index_cast %mul3A_348 : i32 to index
        %get3A_356 = tpu.vector_load %arg13[%get3A_354, %get3A_355] {strides = array<i32>} : memref<64x384xf32, #tpu.memory_space<vmem>>, vector<16xf32>,
        %mul3A_357 = arith.mulf %gather3A_118, %get3A_356 : vector<16xf32>
        %add3A_358 = arith.addf %mul3A_352, %mul3A_357 : vector<16xf32>
        %get3A_359 = arith.constant 14 : i32
        %get3A_360 = arith.index_cast %get3A_359 : i32 to index
        %get3A_361 = arith.index_cast %mul3A_348 : i32 to index
        %get3A_362 = tpu.vector_load %arg13[%get3A_360, %get3A_361] {strides = array<i32>} : memref<64x384xf32, #tpu.memory_space<vmem>>, vector<16xf32>,
        %mul3A_363 = arith.mulf %gather3A_117, %get3A_362 : vector<16xf32>
        %get3A_364 = arith.constant 15 : i32
        %get3A_365 = arith.index_cast %get3A_364 : i32 to index
        %get3A_366 = arith.index_cast %mul3A_348 : i32 to index
        %get3A_367 = tpu.vector_load %arg13[%get3A_365, %get3A_366] {strides = array<i32>} : memref<64x384xf32, #tpu.memory_space<vmem>>, vector<16xf32>,
        %mul3A_368 = arith.mulf %gather3A_118, %get3A_367 : vector<16xf32>
        %add3A_369 = arith.addf %mul3A_363, %mul3A_368 : vector<16xf32>
        %mul3A_370 = arith.mulf %gather3A_119, %add3A_358 : vector<16xf32>
        %mul3A_371 = arith.mulf %gather3A_120, %add3A_369 : vector<16xf32>
        %add3A_372 = arith.addf %mul3A_370, %mul3A_371 : vector<16xf32>
        %swap3A = arith.constant 3 : i32
        %swap3A_373 = arith.index_cast %swap3A : i32 to index
        %swap3A_374 = arith.index_cast %mul3A_348 : i32 to index
        %swap3A_375 = tpu.vector_load %arg14[%swap3A_373, %swap3A_374] {strides = array<i32>} : memref<16x384xf32, #tpu.memory_space<vmem>>, vector<16xf32>,
        tpu.vector_store %arg14[%swap3A_373, %swap3A_374], %add3A_372 {strides = array<i32>} : memref<16x384xf32, #tpu.memory_space<vmem>>, vector<16xf32>,
      }
      %scan3A_126 = arith.constant 24 : i32
      %broadcast_in_dim3A_127 = arith.constant 0 : i32
      %broadcast_in_dim3A_128 = vector.broadcast %broadcast_in_dim3A_127 : i32 to vector<16xi32>
      %mul3A_129 = arith.constant 16 : i32
      %mul3A_130 = arith.muli %scan3A_46, %mul3A_129 : i32
      %add3A_131 = arith.constant 4 : i32
      %add3A_132 = arith.addi %mul3A_130, %add3A_131 : i32
      %add3A_133 = vector.broadcast %add3A_132 : i32 to vector<16xi32>
      %add3A_134 = arith.addi %broadcast_in_dim3A_128, %add3A_133 : vector<16xi32>
      %gather3A_135 = tpu.vector_load_idx %arg9[%add3A_134] : memref<512xf32, #tpu.memory_space<vmem>>[vector<16xi32>], vector<16xf32>,
      %gather3A_136 = tpu.vector_load_idx %arg10[%add3A_134] : memref<512xf32, #tpu.memory_space<vmem>>[vector<16xi32>], vector<16xf32>,
      %gather3A_137 = tpu.vector_load_idx %arg11[%add3A_134] : memref<512xf32, #tpu.memory_space<vmem>>[vector<16xi32>], vector<16xf32>,
      %gather3A_138 = tpu.vector_load_idx %arg12[%add3A_134] : memref<512xf32, #tpu.memory_space<vmem>>[vector<16xi32>], vector<16xf32>,
      %scan3A_139 = arith.constant 0 : i32
      %scan3A_140 = arith.constant 0 : i32
      %scan3A_141 = arith.constant 24 : i32
      %scan3A_142 = arith.addi %scan3A_140, %scan3A_141 : i32
      %scan3A_143 = arith.constant 1 : i32
      scf.for %scan3A_346 = %scan3A_140 to %scan3A_142 step %scan3A_143  : i32 {
        %mul3A_347 = arith.constant 16 : i32
        %mul3A_348 = arith.muli %scan3A_346, %mul3A_347 : i32
        %get3A = arith.constant 16 : i32
        %get3A_349 = arith.index_cast %get3A : i32 to index
        %get3A_350 = arith.index_cast %mul3A_348 : i32 to index
        %get3A_351 = tpu.vector_load %arg13[%get3A_349, %get3A_350] {strides = array<i32>} : memref<64x384xf32, #tpu.memory_space<vmem>>, vector<16xf32>,
        %mul3A_352 = arith.mulf %gather3A_135, %get3A_351 : vector<16xf32>
        %get3A_353 = arith.constant 17 : i32
        %get3A_354 = arith.index_cast %get3A_353 : i32 to index
        %get3A_355 = arith.index_cast %mul3A_348 : i32 to index
        %get3A_356 = tpu.vector_load %arg13[%get3A_354, %get3A_355] {strides = array<i32>} : memref<64x384xf32, #tpu.memory_space<vmem>>, vector<16xf32>,
        %mul3A_357 = arith.mulf %gather3A_136, %get3A_356 : vector<16xf32>
        %add3A_358 = arith.addf %mul3A_352, %mul3A_357 : vector<16xf32>
        %get3A_359 = arith.constant 18 : i32
        %get3A_360 = arith.index_cast %get3A_359 : i32 to index
        %get3A_361 = arith.index_cast %mul3A_348 : i32 to index
        %get3A_362 = tpu.vector_load %arg13[%get3A_360, %get3A_361] {strides = array<i32>} : memref<64x384xf32, #tpu.memory_space<vmem>>, vector<16xf32>,
        %mul3A_363 = arith.mulf %gather3A_135, %get3A_362 : vector<16xf32>
        %get3A_364 = arith.constant 19 : i32
        %get3A_365 = arith.index_cast %get3A_364 : i32 to index
        %get3A_366 = arith.index_cast %mul3A_348 : i32 to index
        %get3A_367 = tpu.vector_load %arg13[%get3A_365, %get3A_366] {strides = array<i32>} : memref<64x384xf32, #tpu.memory_space<vmem>>, vector<16xf32>,
        %mul3A_368 = arith.mulf %gather3A_136, %get3A_367 : vector<16xf32>
        %add3A_369 = arith.addf %mul3A_363, %mul3A_368 : vector<16xf32>
        %mul3A_370 = arith.mulf %gather3A_137, %add3A_358 : vector<16xf32>
        %mul3A_371 = arith.mulf %gather3A_138, %add3A_369 : vector<16xf32>
        %add3A_372 = arith.addf %mul3A_370, %mul3A_371 : vector<16xf32>
        %swap3A = arith.constant 4 : i32
        %swap3A_373 = arith.index_cast %swap3A : i32 to index
        %swap3A_374 = arith.index_cast %mul3A_348 : i32 to index
        %swap3A_375 = tpu.vector_load %arg14[%swap3A_373, %swap3A_374] {strides = array<i32>} : memref<16x384xf32, #tpu.memory_space<vmem>>, vector<16xf32>,
        tpu.vector_store %arg14[%swap3A_373, %swap3A_374], %add3A_372 {strides = array<i32>} : memref<16x384xf32, #tpu.memory_space<vmem>>, vector<16xf32>,
      }
      %scan3A_144 = arith.constant 24 : i32
      %broadcast_in_dim3A_145 = arith.constant 0 : i32
      %broadcast_in_dim3A_146 = vector.broadcast %broadcast_in_dim3A_145 : i32 to vector<16xi32>
      %mul3A_147 = arith.constant 16 : i32
      %mul3A_148 = arith.muli %scan3A_46, %mul3A_147 : i32
      %add3A_149 = arith.constant 5 : i32
      %add3A_150 = arith.addi %mul3A_148, %add3A_149 : i32
      %add3A_151 = vector.broadcast %add3A_150 : i32 to vector<16xi32>
      %add3A_152 = arith.addi %broadcast_in_dim3A_146, %add3A_151 : vector<16xi32>
      %gather3A_153 = tpu.vector_load_idx %arg9[%add3A_152] : memref<512xf32, #tpu.memory_space<vmem>>[vector<16xi32>], vector<16xf32>,
      %gather3A_154 = tpu.vector_load_idx %arg10[%add3A_152] : memref<512xf32, #tpu.memory_space<vmem>>[vector<16xi32>], vector<16xf32>,
      %gather3A_155 = tpu.vector_load_idx %arg11[%add3A_152] : memref<512xf32, #tpu.memory_space<vmem>>[vector<16xi32>], vector<16xf32>,
      %gather3A_156 = tpu.vector_load_idx %arg12[%add3A_152] : memref<512xf32, #tpu.memory_space<vmem>>[vector<16xi32>], vector<16xf32>,
      %scan3A_157 = arith.constant 0 : i32
      %scan3A_158 = arith.constant 0 : i32
      %scan3A_159 = arith.constant 24 : i32
      %scan3A_160 = arith.addi %scan3A_158, %scan3A_159 : i32
      %scan3A_161 = arith.constant 1 : i32
      scf.for %scan3A_346 = %scan3A_158 to %scan3A_160 step %scan3A_161  : i32 {
        %mul3A_347 = arith.constant 16 : i32
        %mul3A_348 = arith.muli %scan3A_346, %mul3A_347 : i32
        %get3A = arith.constant 20 : i32
        %get3A_349 = arith.index_cast %get3A : i32 to index
        %get3A_350 = arith.index_cast %mul3A_348 : i32 to index
        %get3A_351 = tpu.vector_load %arg13[%get3A_349, %get3A_350] {strides = array<i32>} : memref<64x384xf32, #tpu.memory_space<vmem>>, vector<16xf32>,
        %mul3A_352 = arith.mulf %gather3A_153, %get3A_351 : vector<16xf32>
        %get3A_353 = arith.constant 21 : i32
        %get3A_354 = arith.index_cast %get3A_353 : i32 to index
        %get3A_355 = arith.index_cast %mul3A_348 : i32 to index
        %get3A_356 = tpu.vector_load %arg13[%get3A_354, %get3A_355] {strides = array<i32>} : memref<64x384xf32, #tpu.memory_space<vmem>>, vector<16xf32>,
        %mul3A_357 = arith.mulf %gather3A_154, %get3A_356 : vector<16xf32>
        %add3A_358 = arith.addf %mul3A_352, %mul3A_357 : vector<16xf32>
        %get3A_359 = arith.constant 22 : i32
        %get3A_360 = arith.index_cast %get3A_359 : i32 to index
        %get3A_361 = arith.index_cast %mul3A_348 : i32 to index
        %get3A_362 = tpu.vector_load %arg13[%get3A_360, %get3A_361] {strides = array<i32>} : memref<64x384xf32, #tpu.memory_space<vmem>>, vector<16xf32>,
        %mul3A_363 = arith.mulf %gather3A_153, %get3A_362 : vector<16xf32>
        %get3A_364 = arith.constant 23 : i32
        %get3A_365 = arith.index_cast %get3A_364 : i32 to index
        %get3A_366 = arith.index_cast %mul3A_348 : i32 to index
        %get3A_367 = tpu.vector_load %arg13[%get3A_365, %get3A_366] {strides = array<i32>} : memref<64x384xf32, #tpu.memory_space<vmem>>, vector<16xf32>,
        %mul3A_368 = arith.mulf %gather3A_154, %get3A_367 : vector<16xf32>
        %add3A_369 = arith.addf %mul3A_363, %mul3A_368 : vector<16xf32>
        %mul3A_370 = arith.mulf %gather3A_155, %add3A_358 : vector<16xf32>
        %mul3A_371 = arith.mulf %gather3A_156, %add3A_369 : vector<16xf32>
        %add3A_372 = arith.addf %mul3A_370, %mul3A_371 : vector<16xf32>
        %swap3A = arith.constant 5 : i32
        %swap3A_373 = arith.index_cast %swap3A : i32 to index
        %swap3A_374 = arith.index_cast %mul3A_348 : i32 to index
        %swap3A_375 = tpu.vector_load %arg14[%swap3A_373, %swap3A_374] {strides = array<i32>} : memref<16x384xf32, #tpu.memory_space<vmem>>, vector<16xf32>,
        tpu.vector_store %arg14[%swap3A_373, %swap3A_374], %add3A_372 {strides = array<i32>} : memref<16x384xf32, #tpu.memory_space<vmem>>, vector<16xf32>,
      }
      %scan3A_162 = arith.constant 24 : i32
      %broadcast_in_dim3A_163 = arith.constant 0 : i32
      %broadcast_in_dim3A_164 = vector.broadcast %broadcast_in_dim3A_163 : i32 to vector<16xi32>
      %mul3A_165 = arith.constant 16 : i32
      %mul3A_166 = arith.muli %scan3A_46, %mul3A_165 : i32
      %add3A_167 = arith.constant 6 : i32
      %add3A_168 = arith.addi %mul3A_166, %add3A_167 : i32
      %add3A_169 = vector.broadcast %add3A_168 : i32 to vector<16xi32>
      %add3A_170 = arith.addi %broadcast_in_dim3A_164, %add3A_169 : vector<16xi32>
      %gather3A_171 = tpu.vector_load_idx %arg9[%add3A_170] : memref<512xf32, #tpu.memory_space<vmem>>[vector<16xi32>], vector<16xf32>,
      %gather3A_172 = tpu.vector_load_idx %arg10[%add3A_170] : memref<512xf32, #tpu.memory_space<vmem>>[vector<16xi32>], vector<16xf32>,
      %gather3A_173 = tpu.vector_load_idx %arg11[%add3A_170] : memref<512xf32, #tpu.memory_space<vmem>>[vector<16xi32>], vector<16xf32>,
      %gather3A_174 = tpu.vector_load_idx %arg12[%add3A_170] : memref<512xf32, #tpu.memory_space<vmem>>[vector<16xi32>], vector<16xf32>,
      %scan3A_175 = arith.constant 0 : i32
      %scan3A_176 = arith.constant 0 : i32
      %scan3A_177 = arith.constant 24 : i32
      %scan3A_178 = arith.addi %scan3A_176, %scan3A_177 : i32
      %scan3A_179 = arith.constant 1 : i32
      scf.for %scan3A_346 = %scan3A_176 to %scan3A_178 step %scan3A_179  : i32 {
        %mul3A_347 = arith.constant 16 : i32
        %mul3A_348 = arith.muli %scan3A_346, %mul3A_347 : i32
        %get3A = arith.constant 24 : i32
        %get3A_349 = arith.index_cast %get3A : i32 to index
        %get3A_350 = arith.index_cast %mul3A_348 : i32 to index
        %get3A_351 = tpu.vector_load %arg13[%get3A_349, %get3A_350] {strides = array<i32>} : memref<64x384xf32, #tpu.memory_space<vmem>>, vector<16xf32>,
        %mul3A_352 = arith.mulf %gather3A_171, %get3A_351 : vector<16xf32>
        %get3A_353 = arith.constant 25 : i32
        %get3A_354 = arith.index_cast %get3A_353 : i32 to index
        %get3A_355 = arith.index_cast %mul3A_348 : i32 to index
        %get3A_356 = tpu.vector_load %arg13[%get3A_354, %get3A_355] {strides = array<i32>} : memref<64x384xf32, #tpu.memory_space<vmem>>, vector<16xf32>,
        %mul3A_357 = arith.mulf %gather3A_172, %get3A_356 : vector<16xf32>
        %add3A_358 = arith.addf %mul3A_352, %mul3A_357 : vector<16xf32>
        %get3A_359 = arith.constant 26 : i32
        %get3A_360 = arith.index_cast %get3A_359 : i32 to index
        %get3A_361 = arith.index_cast %mul3A_348 : i32 to index
        %get3A_362 = tpu.vector_load %arg13[%get3A_360, %get3A_361] {strides = array<i32>} : memref<64x384xf32, #tpu.memory_space<vmem>>, vector<16xf32>,
        %mul3A_363 = arith.mulf %gather3A_171, %get3A_362 : vector<16xf32>
        %get3A_364 = arith.constant 27 : i32
        %get3A_365 = arith.index_cast %get3A_364 : i32 to index
        %get3A_366 = arith.index_cast %mul3A_348 : i32 to index
        %get3A_367 = tpu.vector_load %arg13[%get3A_365, %get3A_366] {strides = array<i32>} : memref<64x384xf32, #tpu.memory_space<vmem>>, vector<16xf32>,
        %mul3A_368 = arith.mulf %gather3A_172, %get3A_367 : vector<16xf32>
        %add3A_369 = arith.addf %mul3A_363, %mul3A_368 : vector<16xf32>
        %mul3A_370 = arith.mulf %gather3A_173, %add3A_358 : vector<16xf32>
        %mul3A_371 = arith.mulf %gather3A_174, %add3A_369 : vector<16xf32>
        %add3A_372 = arith.addf %mul3A_370, %mul3A_371 : vector<16xf32>
        %swap3A = arith.constant 6 : i32
        %swap3A_373 = arith.index_cast %swap3A : i32 to index
        %swap3A_374 = arith.index_cast %mul3A_348 : i32 to index
        %swap3A_375 = tpu.vector_load %arg14[%swap3A_373, %swap3A_374] {strides = array<i32>} : memref<16x384xf32, #tpu.memory_space<vmem>>, vector<16xf32>,
        tpu.vector_store %arg14[%swap3A_373, %swap3A_374], %add3A_372 {strides = array<i32>} : memref<16x384xf32, #tpu.memory_space<vmem>>, vector<16xf32>,
      }
      %scan3A_180 = arith.constant 24 : i32
      %broadcast_in_dim3A_181 = arith.constant 0 : i32
      %broadcast_in_dim3A_182 = vector.broadcast %broadcast_in_dim3A_181 : i32 to vector<16xi32>
      %mul3A_183 = arith.constant 16 : i32
      %mul3A_184 = arith.muli %scan3A_46, %mul3A_183 : i32
      %add3A_185 = arith.constant 7 : i32
      %add3A_186 = arith.addi %mul3A_184, %add3A_185 : i32
      %add3A_187 = vector.broadcast %add3A_186 : i32 to vector<16xi32>
      %add3A_188 = arith.addi %broadcast_in_dim3A_182, %add3A_187 : vector<16xi32>
      %gather3A_189 = tpu.vector_load_idx %arg9[%add3A_188] : memref<512xf32, #tpu.memory_space<vmem>>[vector<16xi32>], vector<16xf32>,
      %gather3A_190 = tpu.vector_load_idx %arg10[%add3A_188] : memref<512xf32, #tpu.memory_space<vmem>>[vector<16xi32>], vector<16xf32>,
      %gather3A_191 = tpu.vector_load_idx %arg11[%add3A_188] : memref<512xf32, #tpu.memory_space<vmem>>[vector<16xi32>], vector<16xf32>,
      %gather3A_192 = tpu.vector_load_idx %arg12[%add3A_188] : memref<512xf32, #tpu.memory_space<vmem>>[vector<16xi32>], vector<16xf32>,
      %scan3A_193 = arith.constant 0 : i32
      %scan3A_194 = arith.constant 0 : i32
      %scan3A_195 = arith.constant 24 : i32
      %scan3A_196 = arith.addi %scan3A_194, %scan3A_195 : i32
      %scan3A_197 = arith.constant 1 : i32
      scf.for %scan3A_346 = %scan3A_194 to %scan3A_196 step %scan3A_197  : i32 {
        %mul3A_347 = arith.constant 16 : i32
        %mul3A_348 = arith.muli %scan3A_346, %mul3A_347 : i32
        %get3A = arith.constant 28 : i32
        %get3A_349 = arith.index_cast %get3A : i32 to index
        %get3A_350 = arith.index_cast %mul3A_348 : i32 to index
        %get3A_351 = tpu.vector_load %arg13[%get3A_349, %get3A_350] {strides = array<i32>} : memref<64x384xf32, #tpu.memory_space<vmem>>, vector<16xf32>,
        %mul3A_352 = arith.mulf %gather3A_189, %get3A_351 : vector<16xf32>
        %get3A_353 = arith.constant 29 : i32
        %get3A_354 = arith.index_cast %get3A_353 : i32 to index
        %get3A_355 = arith.index_cast %mul3A_348 : i32 to index
        %get3A_356 = tpu.vector_load %arg13[%get3A_354, %get3A_355] {strides = array<i32>} : memref<64x384xf32, #tpu.memory_space<vmem>>, vector<16xf32>,
        %mul3A_357 = arith.mulf %gather3A_190, %get3A_356 : vector<16xf32>
        %add3A_358 = arith.addf %mul3A_352, %mul3A_357 : vector<16xf32>
        %get3A_359 = arith.constant 30 : i32
        %get3A_360 = arith.index_cast %get3A_359 : i32 to index
        %get3A_361 = arith.index_cast %mul3A_348 : i32 to index
        %get3A_362 = tpu.vector_load %arg13[%get3A_360, %get3A_361] {strides = array<i32>} : memref<64x384xf32, #tpu.memory_space<vmem>>, vector<16xf32>,
        %mul3A_363 = arith.mulf %gather3A_189, %get3A_362 : vector<16xf32>
        %get3A_364 = arith.constant 31 : i32
        %get3A_365 = arith.index_cast %get3A_364 : i32 to index
        %get3A_366 = arith.index_cast %mul3A_348 : i32 to index
        %get3A_367 = tpu.vector_load %arg13[%get3A_365, %get3A_366] {strides = array<i32>} : memref<64x384xf32, #tpu.memory_space<vmem>>, vector<16xf32>,
        %mul3A_368 = arith.mulf %gather3A_190, %get3A_367 : vector<16xf32>
        %add3A_369 = arith.addf %mul3A_363, %mul3A_368 : vector<16xf32>
        %mul3A_370 = arith.mulf %gather3A_191, %add3A_358 : vector<16xf32>
        %mul3A_371 = arith.mulf %gather3A_192, %add3A_369 : vector<16xf32>
        %add3A_372 = arith.addf %mul3A_370, %mul3A_371 : vector<16xf32>
        %swap3A = arith.constant 7 : i32
        %swap3A_373 = arith.index_cast %swap3A : i32 to index
        %swap3A_374 = arith.index_cast %mul3A_348 : i32 to index
        %swap3A_375 = tpu.vector_load %arg14[%swap3A_373, %swap3A_374] {strides = array<i32>} : memref<16x384xf32, #tpu.memory_space<vmem>>, vector<16xf32>,
        tpu.vector_store %arg14[%swap3A_373, %swap3A_374], %add3A_372 {strides = array<i32>} : memref<16x384xf32, #tpu.memory_space<vmem>>, vector<16xf32>,
      }
      %scan3A_198 = arith.constant 24 : i32
      %broadcast_in_dim3A_199 = arith.constant 0 : i32
      %broadcast_in_dim3A_200 = vector.broadcast %broadcast_in_dim3A_199 : i32 to vector<16xi32>
      %mul3A_201 = arith.constant 16 : i32
      %mul3A_202 = arith.muli %scan3A_46, %mul3A_201 : i32
      %add3A_203 = arith.constant 8 : i32
      %add3A_204 = arith.addi %mul3A_202, %add3A_203 : i32
      %add3A_205 = vector.broadcast %add3A_204 : i32 to vector<16xi32>
      %add3A_206 = arith.addi %broadcast_in_dim3A_200, %add3A_205 : vector<16xi32>
      %gather3A_207 = tpu.vector_load_idx %arg9[%add3A_206] : memref<512xf32, #tpu.memory_space<vmem>>[vector<16xi32>], vector<16xf32>,
      %gather3A_208 = tpu.vector_load_idx %arg10[%add3A_206] : memref<512xf32, #tpu.memory_space<vmem>>[vector<16xi32>], vector<16xf32>,
      %gather3A_209 = tpu.vector_load_idx %arg11[%add3A_206] : memref<512xf32, #tpu.memory_space<vmem>>[vector<16xi32>], vector<16xf32>,
      %gather3A_210 = tpu.vector_load_idx %arg12[%add3A_206] : memref<512xf32, #tpu.memory_space<vmem>>[vector<16xi32>], vector<16xf32>,
      %scan3A_211 = arith.constant 0 : i32
      %scan3A_212 = arith.constant 0 : i32
      %scan3A_213 = arith.constant 24 : i32
      %scan3A_214 = arith.addi %scan3A_212, %scan3A_213 : i32
      %scan3A_215 = arith.constant 1 : i32
      scf.for %scan3A_346 = %scan3A_212 to %scan3A_214 step %scan3A_215  : i32 {
        %mul3A_347 = arith.constant 16 : i32
        %mul3A_348 = arith.muli %scan3A_346, %mul3A_347 : i32
        %get3A = arith.constant 32 : i32
        %get3A_349 = arith.index_cast %get3A : i32 to index
        %get3A_350 = arith.index_cast %mul3A_348 : i32 to index
        %get3A_351 = tpu.vector_load %arg13[%get3A_349, %get3A_350] {strides = array<i32>} : memref<64x384xf32, #tpu.memory_space<vmem>>, vector<16xf32>,
        %mul3A_352 = arith.mulf %gather3A_207, %get3A_351 : vector<16xf32>
        %get3A_353 = arith.constant 33 : i32
        %get3A_354 = arith.index_cast %get3A_353 : i32 to index
        %get3A_355 = arith.index_cast %mul3A_348 : i32 to index
        %get3A_356 = tpu.vector_load %arg13[%get3A_354, %get3A_355] {strides = array<i32>} : memref<64x384xf32, #tpu.memory_space<vmem>>, vector<16xf32>,
        %mul3A_357 = arith.mulf %gather3A_208, %get3A_356 : vector<16xf32>
        %add3A_358 = arith.addf %mul3A_352, %mul3A_357 : vector<16xf32>
        %get3A_359 = arith.constant 34 : i32
        %get3A_360 = arith.index_cast %get3A_359 : i32 to index
        %get3A_361 = arith.index_cast %mul3A_348 : i32 to index
        %get3A_362 = tpu.vector_load %arg13[%get3A_360, %get3A_361] {strides = array<i32>} : memref<64x384xf32, #tpu.memory_space<vmem>>, vector<16xf32>,
        %mul3A_363 = arith.mulf %gather3A_207, %get3A_362 : vector<16xf32>
        %get3A_364 = arith.constant 35 : i32
        %get3A_365 = arith.index_cast %get3A_364 : i32 to index
        %get3A_366 = arith.index_cast %mul3A_348 : i32 to index
        %get3A_367 = tpu.vector_load %arg13[%get3A_365, %get3A_366] {strides = array<i32>} : memref<64x384xf32, #tpu.memory_space<vmem>>, vector<16xf32>,
        %mul3A_368 = arith.mulf %gather3A_208, %get3A_367 : vector<16xf32>
        %add3A_369 = arith.addf %mul3A_363, %mul3A_368 : vector<16xf32>
        %mul3A_370 = arith.mulf %gather3A_209, %add3A_358 : vector<16xf32>
        %mul3A_371 = arith.mulf %gather3A_210, %add3A_369 : vector<16xf32>
        %add3A_372 = arith.addf %mul3A_370, %mul3A_371 : vector<16xf32>
        %swap3A = arith.constant 8 : i32
        %swap3A_373 = arith.index_cast %swap3A : i32 to index
        %swap3A_374 = arith.index_cast %mul3A_348 : i32 to index
        %swap3A_375 = tpu.vector_load %arg14[%swap3A_373, %swap3A_374] {strides = array<i32>} : memref<16x384xf32, #tpu.memory_space<vmem>>, vector<16xf32>,
        tpu.vector_store %arg14[%swap3A_373, %swap3A_374], %add3A_372 {strides = array<i32>} : memref<16x384xf32, #tpu.memory_space<vmem>>, vector<16xf32>,
      }
      %scan3A_216 = arith.constant 24 : i32
      %broadcast_in_dim3A_217 = arith.constant 0 : i32
      %broadcast_in_dim3A_218 = vector.broadcast %broadcast_in_dim3A_217 : i32 to vector<16xi32>
      %mul3A_219 = arith.constant 16 : i32
      %mul3A_220 = arith.muli %scan3A_46, %mul3A_219 : i32
      %add3A_221 = arith.constant 9 : i32
      %add3A_222 = arith.addi %mul3A_220, %add3A_221 : i32
      %add3A_223 = vector.broadcast %add3A_222 : i32 to vector<16xi32>
      %add3A_224 = arith.addi %broadcast_in_dim3A_218, %add3A_223 : vector<16xi32>
      %gather3A_225 = tpu.vector_load_idx %arg9[%add3A_224] : memref<512xf32, #tpu.memory_space<vmem>>[vector<16xi32>], vector<16xf32>,
      %gather3A_226 = tpu.vector_load_idx %arg10[%add3A_224] : memref<512xf32, #tpu.memory_space<vmem>>[vector<16xi32>], vector<16xf32>,
      %gather3A_227 = tpu.vector_load_idx %arg11[%add3A_224] : memref<512xf32, #tpu.memory_space<vmem>>[vector<16xi32>], vector<16xf32>,
      %gather3A_228 = tpu.vector_load_idx %arg12[%add3A_224] : memref<512xf32, #tpu.memory_space<vmem>>[vector<16xi32>], vector<16xf32>,
      %scan3A_229 = arith.constant 0 : i32
      %scan3A_230 = arith.constant 0 : i32
      %scan3A_231 = arith.constant 24 : i32
      %scan3A_232 = arith.addi %scan3A_230, %scan3A_231 : i32
      %scan3A_233 = arith.constant 1 : i32
      scf.for %scan3A_346 = %scan3A_230 to %scan3A_232 step %scan3A_233  : i32 {
        %mul3A_347 = arith.constant 16 : i32
        %mul3A_348 = arith.muli %scan3A_346, %mul3A_347 : i32
        %get3A = arith.constant 36 : i32
        %get3A_349 = arith.index_cast %get3A : i32 to index
        %get3A_350 = arith.index_cast %mul3A_348 : i32 to index
        %get3A_351 = tpu.vector_load %arg13[%get3A_349, %get3A_350] {strides = array<i32>} : memref<64x384xf32, #tpu.memory_space<vmem>>, vector<16xf32>,
        %mul3A_352 = arith.mulf %gather3A_225, %get3A_351 : vector<16xf32>
        %get3A_353 = arith.constant 37 : i32
        %get3A_354 = arith.index_cast %get3A_353 : i32 to index
        %get3A_355 = arith.index_cast %mul3A_348 : i32 to index
        %get3A_356 = tpu.vector_load %arg13[%get3A_354, %get3A_355] {strides = array<i32>} : memref<64x384xf32, #tpu.memory_space<vmem>>, vector<16xf32>,
        %mul3A_357 = arith.mulf %gather3A_226, %get3A_356 : vector<16xf32>
        %add3A_358 = arith.addf %mul3A_352, %mul3A_357 : vector<16xf32>
        %get3A_359 = arith.constant 38 : i32
        %get3A_360 = arith.index_cast %get3A_359 : i32 to index
        %get3A_361 = arith.index_cast %mul3A_348 : i32 to index
        %get3A_362 = tpu.vector_load %arg13[%get3A_360, %get3A_361] {strides = array<i32>} : memref<64x384xf32, #tpu.memory_space<vmem>>, vector<16xf32>,
        %mul3A_363 = arith.mulf %gather3A_225, %get3A_362 : vector<16xf32>
        %get3A_364 = arith.constant 39 : i32
        %get3A_365 = arith.index_cast %get3A_364 : i32 to index
        %get3A_366 = arith.index_cast %mul3A_348 : i32 to index
        %get3A_367 = tpu.vector_load %arg13[%get3A_365, %get3A_366] {strides = array<i32>} : memref<64x384xf32, #tpu.memory_space<vmem>>, vector<16xf32>,
        %mul3A_368 = arith.mulf %gather3A_226, %get3A_367 : vector<16xf32>
        %add3A_369 = arith.addf %mul3A_363, %mul3A_368 : vector<16xf32>
        %mul3A_370 = arith.mulf %gather3A_227, %add3A_358 : vector<16xf32>
        %mul3A_371 = arith.mulf %gather3A_228, %add3A_369 : vector<16xf32>
        %add3A_372 = arith.addf %mul3A_370, %mul3A_371 : vector<16xf32>
        %swap3A = arith.constant 9 : i32
        %swap3A_373 = arith.index_cast %swap3A : i32 to index
        %swap3A_374 = arith.index_cast %mul3A_348 : i32 to index
        %swap3A_375 = tpu.vector_load %arg14[%swap3A_373, %swap3A_374] {strides = array<i32>} : memref<16x384xf32, #tpu.memory_space<vmem>>, vector<16xf32>,
        tpu.vector_store %arg14[%swap3A_373, %swap3A_374], %add3A_372 {strides = array<i32>} : memref<16x384xf32, #tpu.memory_space<vmem>>, vector<16xf32>,
      }
      %scan3A_234 = arith.constant 24 : i32
      %broadcast_in_dim3A_235 = arith.constant 0 : i32
      %broadcast_in_dim3A_236 = vector.broadcast %broadcast_in_dim3A_235 : i32 to vector<16xi32>
      %mul3A_237 = arith.constant 16 : i32
      %mul3A_238 = arith.muli %scan3A_46, %mul3A_237 : i32
      %add3A_239 = arith.constant 10 : i32
      %add3A_240 = arith.addi %mul3A_238, %add3A_239 : i32
      %add3A_241 = vector.broadcast %add3A_240 : i32 to vector<16xi32>
      %add3A_242 = arith.addi %broadcast_in_dim3A_236, %add3A_241 : vector<16xi32>
      %gather3A_243 = tpu.vector_load_idx %arg9[%add3A_242] : memref<512xf32, #tpu.memory_space<vmem>>[vector<16xi32>], vector<16xf32>,
      %gather3A_244 = tpu.vector_load_idx %arg10[%add3A_242] : memref<512xf32, #tpu.memory_space<vmem>>[vector<16xi32>], vector<16xf32>,
      %gather3A_245 = tpu.vector_load_idx %arg11[%add3A_242] : memref<512xf32, #tpu.memory_space<vmem>>[vector<16xi32>], vector<16xf32>,
      %gather3A_246 = tpu.vector_load_idx %arg12[%add3A_242] : memref<512xf32, #tpu.memory_space<vmem>>[vector<16xi32>], vector<16xf32>,
      %scan3A_247 = arith.constant 0 : i32
      %scan3A_248 = arith.constant 0 : i32
      %scan3A_249 = arith.constant 24 : i32
      %scan3A_250 = arith.addi %scan3A_248, %scan3A_249 : i32
      %scan3A_251 = arith.constant 1 : i32
      scf.for %scan3A_346 = %scan3A_248 to %scan3A_250 step %scan3A_251  : i32 {
        %mul3A_347 = arith.constant 16 : i32
        %mul3A_348 = arith.muli %scan3A_346, %mul3A_347 : i32
        %get3A = arith.constant 40 : i32
        %get3A_349 = arith.index_cast %get3A : i32 to index
        %get3A_350 = arith.index_cast %mul3A_348 : i32 to index
        %get3A_351 = tpu.vector_load %arg13[%get3A_349, %get3A_350] {strides = array<i32>} : memref<64x384xf32, #tpu.memory_space<vmem>>, vector<16xf32>,
        %mul3A_352 = arith.mulf %gather3A_243, %get3A_351 : vector<16xf32>
        %get3A_353 = arith.constant 41 : i32
        %get3A_354 = arith.index_cast %get3A_353 : i32 to index
        %get3A_355 = arith.index_cast %mul3A_348 : i32 to index
        %get3A_356 = tpu.vector_load %arg13[%get3A_354, %get3A_355] {strides = array<i32>} : memref<64x384xf32, #tpu.memory_space<vmem>>, vector<16xf32>,
        %mul3A_357 = arith.mulf %gather3A_244, %get3A_356 : vector<16xf32>
        %add3A_358 = arith.addf %mul3A_352, %mul3A_357 : vector<16xf32>
        %get3A_359 = arith.constant 42 : i32
        %get3A_360 = arith.index_cast %get3A_359 : i32 to index
        %get3A_361 = arith.index_cast %mul3A_348 : i32 to index
        %get3A_362 = tpu.vector_load %arg13[%get3A_360, %get3A_361] {strides = array<i32>} : memref<64x384xf32, #tpu.memory_space<vmem>>, vector<16xf32>,
        %mul3A_363 = arith.mulf %gather3A_243, %get3A_362 : vector<16xf32>
        %get3A_364 = arith.constant 43 : i32
        %get3A_365 = arith.index_cast %get3A_364 : i32 to index
        %get3A_366 = arith.index_cast %mul3A_348 : i32 to index
        %get3A_367 = tpu.vector_load %arg13[%get3A_365, %get3A_366] {strides = array<i32>} : memref<64x384xf32, #tpu.memory_space<vmem>>, vector<16xf32>,
        %mul3A_368 = arith.mulf %gather3A_244, %get3A_367 : vector<16xf32>
        %add3A_369 = arith.addf %mul3A_363, %mul3A_368 : vector<16xf32>
        %mul3A_370 = arith.mulf %gather3A_245, %add3A_358 : vector<16xf32>
        %mul3A_371 = arith.mulf %gather3A_246, %add3A_369 : vector<16xf32>
        %add3A_372 = arith.addf %mul3A_370, %mul3A_371 : vector<16xf32>
        %swap3A = arith.constant 10 : i32
        %swap3A_373 = arith.index_cast %swap3A : i32 to index
        %swap3A_374 = arith.index_cast %mul3A_348 : i32 to index
        %swap3A_375 = tpu.vector_load %arg14[%swap3A_373, %swap3A_374] {strides = array<i32>} : memref<16x384xf32, #tpu.memory_space<vmem>>, vector<16xf32>,
        tpu.vector_store %arg14[%swap3A_373, %swap3A_374], %add3A_372 {strides = array<i32>} : memref<16x384xf32, #tpu.memory_space<vmem>>, vector<16xf32>,
      }
      %scan3A_252 = arith.constant 24 : i32
      %broadcast_in_dim3A_253 = arith.constant 0 : i32
      %broadcast_in_dim3A_254 = vector.broadcast %broadcast_in_dim3A_253 : i32 to vector<16xi32>
      %mul3A_255 = arith.constant 16 : i32
      %mul3A_256 = arith.muli %scan3A_46, %mul3A_255 : i32
      %add3A_257 = arith.constant 11 : i32
      %add3A_258 = arith.addi %mul3A_256, %add3A_257 : i32
      %add3A_259 = vector.broadcast %add3A_258 : i32 to vector<16xi32>
      %add3A_260 = arith.addi %broadcast_in_dim3A_254, %add3A_259 : vector<16xi32>
      %gather3A_261 = tpu.vector_load_idx %arg9[%add3A_260] : memref<512xf32, #tpu.memory_space<vmem>>[vector<16xi32>], vector<16xf32>,
      %gather3A_262 = tpu.vector_load_idx %arg10[%add3A_260] : memref<512xf32, #tpu.memory_space<vmem>>[vector<16xi32>], vector<16xf32>,
      %gather3A_263 = tpu.vector_load_idx %arg11[%add3A_260] : memref<512xf32, #tpu.memory_space<vmem>>[vector<16xi32>], vector<16xf32>,
      %gather3A_264 = tpu.vector_load_idx %arg12[%add3A_260] : memref<512xf32, #tpu.memory_space<vmem>>[vector<16xi32>], vector<16xf32>,
      %scan3A_265 = arith.constant 0 : i32
      %scan3A_266 = arith.constant 0 : i32
      %scan3A_267 = arith.constant 24 : i32
      %scan3A_268 = arith.addi %scan3A_266, %scan3A_267 : i32
      %scan3A_269 = arith.constant 1 : i32
      scf.for %scan3A_346 = %scan3A_266 to %scan3A_268 step %scan3A_269  : i32 {
        %mul3A_347 = arith.constant 16 : i32
        %mul3A_348 = arith.muli %scan3A_346, %mul3A_347 : i32
        %get3A = arith.constant 44 : i32
        %get3A_349 = arith.index_cast %get3A : i32 to index
        %get3A_350 = arith.index_cast %mul3A_348 : i32 to index
        %get3A_351 = tpu.vector_load %arg13[%get3A_349, %get3A_350] {strides = array<i32>} : memref<64x384xf32, #tpu.memory_space<vmem>>, vector<16xf32>,
        %mul3A_352 = arith.mulf %gather3A_261, %get3A_351 : vector<16xf32>
        %get3A_353 = arith.constant 45 : i32
        %get3A_354 = arith.index_cast %get3A_353 : i32 to index
        %get3A_355 = arith.index_cast %mul3A_348 : i32 to index
        %get3A_356 = tpu.vector_load %arg13[%get3A_354, %get3A_355] {strides = array<i32>} : memref<64x384xf32, #tpu.memory_space<vmem>>, vector<16xf32>,
        %mul3A_357 = arith.mulf %gather3A_262, %get3A_356 : vector<16xf32>
        %add3A_358 = arith.addf %mul3A_352, %mul3A_357 : vector<16xf32>
        %get3A_359 = arith.constant 46 : i32
        %get3A_360 = arith.index_cast %get3A_359 : i32 to index
        %get3A_361 = arith.index_cast %mul3A_348 : i32 to index
        %get3A_362 = tpu.vector_load %arg13[%get3A_360, %get3A_361] {strides = array<i32>} : memref<64x384xf32, #tpu.memory_space<vmem>>, vector<16xf32>,
        %mul3A_363 = arith.mulf %gather3A_261, %get3A_362 : vector<16xf32>
        %get3A_364 = arith.constant 47 : i32
        %get3A_365 = arith.index_cast %get3A_364 : i32 to index
        %get3A_366 = arith.index_cast %mul3A_348 : i32 to index
        %get3A_367 = tpu.vector_load %arg13[%get3A_365, %get3A_366] {strides = array<i32>} : memref<64x384xf32, #tpu.memory_space<vmem>>, vector<16xf32>,
        %mul3A_368 = arith.mulf %gather3A_262, %get3A_367 : vector<16xf32>
        %add3A_369 = arith.addf %mul3A_363, %mul3A_368 : vector<16xf32>
        %mul3A_370 = arith.mulf %gather3A_263, %add3A_358 : vector<16xf32>
        %mul3A_371 = arith.mulf %gather3A_264, %add3A_369 : vector<16xf32>
        %add3A_372 = arith.addf %mul3A_370, %mul3A_371 : vector<16xf32>
        %swap3A = arith.constant 11 : i32
        %swap3A_373 = arith.index_cast %swap3A : i32 to index
        %swap3A_374 = arith.index_cast %mul3A_348 : i32 to index
        %swap3A_375 = tpu.vector_load %arg14[%swap3A_373, %swap3A_374] {strides = array<i32>} : memref<16x384xf32, #tpu.memory_space<vmem>>, vector<16xf32>,
        tpu.vector_store %arg14[%swap3A_373, %swap3A_374], %add3A_372 {strides = array<i32>} : memref<16x384xf32, #tpu.memory_space<vmem>>, vector<16xf32>,
      }
      %scan3A_270 = arith.constant 24 : i32
      %broadcast_in_dim3A_271 = arith.constant 0 : i32
      %broadcast_in_dim3A_272 = vector.broadcast %broadcast_in_dim3A_271 : i32 to vector<16xi32>
      %mul3A_273 = arith.constant 16 : i32
      %mul3A_274 = arith.muli %scan3A_46, %mul3A_273 : i32
      %add3A_275 = arith.constant 12 : i32
      %add3A_276 = arith.addi %mul3A_274, %add3A_275 : i32
      %add3A_277 = vector.broadcast %add3A_276 : i32 to vector<16xi32>
      %add3A_278 = arith.addi %broadcast_in_dim3A_272, %add3A_277 : vector<16xi32>
      %gather3A_279 = tpu.vector_load_idx %arg9[%add3A_278] : memref<512xf32, #tpu.memory_space<vmem>>[vector<16xi32>], vector<16xf32>,
      %gather3A_280 = tpu.vector_load_idx %arg10[%add3A_278] : memref<512xf32, #tpu.memory_space<vmem>>[vector<16xi32>], vector<16xf32>,
      %gather3A_281 = tpu.vector_load_idx %arg11[%add3A_278] : memref<512xf32, #tpu.memory_space<vmem>>[vector<16xi32>], vector<16xf32>,
      %gather3A_282 = tpu.vector_load_idx %arg12[%add3A_278] : memref<512xf32, #tpu.memory_space<vmem>>[vector<16xi32>], vector<16xf32>,
      %scan3A_283 = arith.constant 0 : i32
      %scan3A_284 = arith.constant 0 : i32
      %scan3A_285 = arith.constant 24 : i32
      %scan3A_286 = arith.addi %scan3A_284, %scan3A_285 : i32
      %scan3A_287 = arith.constant 1 : i32
      scf.for %scan3A_346 = %scan3A_284 to %scan3A_286 step %scan3A_287  : i32 {
        %mul3A_347 = arith.constant 16 : i32
        %mul3A_348 = arith.muli %scan3A_346, %mul3A_347 : i32
        %get3A = arith.constant 48 : i32
        %get3A_349 = arith.index_cast %get3A : i32 to index
        %get3A_350 = arith.index_cast %mul3A_348 : i32 to index
        %get3A_351 = tpu.vector_load %arg13[%get3A_349, %get3A_350] {strides = array<i32>} : memref<64x384xf32, #tpu.memory_space<vmem>>, vector<16xf32>,
        %mul3A_352 = arith.mulf %gather3A_279, %get3A_351 : vector<16xf32>
        %get3A_353 = arith.constant 49 : i32
        %get3A_354 = arith.index_cast %get3A_353 : i32 to index
        %get3A_355 = arith.index_cast %mul3A_348 : i32 to index
        %get3A_356 = tpu.vector_load %arg13[%get3A_354, %get3A_355] {strides = array<i32>} : memref<64x384xf32, #tpu.memory_space<vmem>>, vector<16xf32>,
        %mul3A_357 = arith.mulf %gather3A_280, %get3A_356 : vector<16xf32>
        %add3A_358 = arith.addf %mul3A_352, %mul3A_357 : vector<16xf32>
        %get3A_359 = arith.constant 50 : i32
        %get3A_360 = arith.index_cast %get3A_359 : i32 to index
        %get3A_361 = arith.index_cast %mul3A_348 : i32 to index
        %get3A_362 = tpu.vector_load %arg13[%get3A_360, %get3A_361] {strides = array<i32>} : memref<64x384xf32, #tpu.memory_space<vmem>>, vector<16xf32>,
        %mul3A_363 = arith.mulf %gather3A_279, %get3A_362 : vector<16xf32>
        %get3A_364 = arith.constant 51 : i32
        %get3A_365 = arith.index_cast %get3A_364 : i32 to index
        %get3A_366 = arith.index_cast %mul3A_348 : i32 to index
        %get3A_367 = tpu.vector_load %arg13[%get3A_365, %get3A_366] {strides = array<i32>} : memref<64x384xf32, #tpu.memory_space<vmem>>, vector<16xf32>,
        %mul3A_368 = arith.mulf %gather3A_280, %get3A_367 : vector<16xf32>
        %add3A_369 = arith.addf %mul3A_363, %mul3A_368 : vector<16xf32>
        %mul3A_370 = arith.mulf %gather3A_281, %add3A_358 : vector<16xf32>
        %mul3A_371 = arith.mulf %gather3A_282, %add3A_369 : vector<16xf32>
        %add3A_372 = arith.addf %mul3A_370, %mul3A_371 : vector<16xf32>
        %swap3A = arith.constant 12 : i32
        %swap3A_373 = arith.index_cast %swap3A : i32 to index
        %swap3A_374 = arith.index_cast %mul3A_348 : i32 to index
        %swap3A_375 = tpu.vector_load %arg14[%swap3A_373, %swap3A_374] {strides = array<i32>} : memref<16x384xf32, #tpu.memory_space<vmem>>, vector<16xf32>,
        tpu.vector_store %arg14[%swap3A_373, %swap3A_374], %add3A_372 {strides = array<i32>} : memref<16x384xf32, #tpu.memory_space<vmem>>, vector<16xf32>,
      }
      %scan3A_288 = arith.constant 24 : i32
      %broadcast_in_dim3A_289 = arith.constant 0 : i32
      %broadcast_in_dim3A_290 = vector.broadcast %broadcast_in_dim3A_289 : i32 to vector<16xi32>
      %mul3A_291 = arith.constant 16 : i32
      %mul3A_292 = arith.muli %scan3A_46, %mul3A_291 : i32
      %add3A_293 = arith.constant 13 : i32
      %add3A_294 = arith.addi %mul3A_292, %add3A_293 : i32
      %add3A_295 = vector.broadcast %add3A_294 : i32 to vector<16xi32>
      %add3A_296 = arith.addi %broadcast_in_dim3A_290, %add3A_295 : vector<16xi32>
      %gather3A_297 = tpu.vector_load_idx %arg9[%add3A_296] : memref<512xf32, #tpu.memory_space<vmem>>[vector<16xi32>], vector<16xf32>,
      %gather3A_298 = tpu.vector_load_idx %arg10[%add3A_296] : memref<512xf32, #tpu.memory_space<vmem>>[vector<16xi32>], vector<16xf32>,
      %gather3A_299 = tpu.vector_load_idx %arg11[%add3A_296] : memref<512xf32, #tpu.memory_space<vmem>>[vector<16xi32>], vector<16xf32>,
      %gather3A_300 = tpu.vector_load_idx %arg12[%add3A_296] : memref<512xf32, #tpu.memory_space<vmem>>[vector<16xi32>], vector<16xf32>,
      %scan3A_301 = arith.constant 0 : i32
      %scan3A_302 = arith.constant 0 : i32
      %scan3A_303 = arith.constant 24 : i32
      %scan3A_304 = arith.addi %scan3A_302, %scan3A_303 : i32
      %scan3A_305 = arith.constant 1 : i32
      scf.for %scan3A_346 = %scan3A_302 to %scan3A_304 step %scan3A_305  : i32 {
        %mul3A_347 = arith.constant 16 : i32
        %mul3A_348 = arith.muli %scan3A_346, %mul3A_347 : i32
        %get3A = arith.constant 52 : i32
        %get3A_349 = arith.index_cast %get3A : i32 to index
        %get3A_350 = arith.index_cast %mul3A_348 : i32 to index
        %get3A_351 = tpu.vector_load %arg13[%get3A_349, %get3A_350] {strides = array<i32>} : memref<64x384xf32, #tpu.memory_space<vmem>>, vector<16xf32>,
        %mul3A_352 = arith.mulf %gather3A_297, %get3A_351 : vector<16xf32>
        %get3A_353 = arith.constant 53 : i32
        %get3A_354 = arith.index_cast %get3A_353 : i32 to index
        %get3A_355 = arith.index_cast %mul3A_348 : i32 to index
        %get3A_356 = tpu.vector_load %arg13[%get3A_354, %get3A_355] {strides = array<i32>} : memref<64x384xf32, #tpu.memory_space<vmem>>, vector<16xf32>,
        %mul3A_357 = arith.mulf %gather3A_298, %get3A_356 : vector<16xf32>
        %add3A_358 = arith.addf %mul3A_352, %mul3A_357 : vector<16xf32>
        %get3A_359 = arith.constant 54 : i32
        %get3A_360 = arith.index_cast %get3A_359 : i32 to index
        %get3A_361 = arith.index_cast %mul3A_348 : i32 to index
        %get3A_362 = tpu.vector_load %arg13[%get3A_360, %get3A_361] {strides = array<i32>} : memref<64x384xf32, #tpu.memory_space<vmem>>, vector<16xf32>,
        %mul3A_363 = arith.mulf %gather3A_297, %get3A_362 : vector<16xf32>
        %get3A_364 = arith.constant 55 : i32
        %get3A_365 = arith.index_cast %get3A_364 : i32 to index
        %get3A_366 = arith.index_cast %mul3A_348 : i32 to index
        %get3A_367 = tpu.vector_load %arg13[%get3A_365, %get3A_366] {strides = array<i32>} : memref<64x384xf32, #tpu.memory_space<vmem>>, vector<16xf32>,
        %mul3A_368 = arith.mulf %gather3A_298, %get3A_367 : vector<16xf32>
        %add3A_369 = arith.addf %mul3A_363, %mul3A_368 : vector<16xf32>
        %mul3A_370 = arith.mulf %gather3A_299, %add3A_358 : vector<16xf32>
        %mul3A_371 = arith.mulf %gather3A_300, %add3A_369 : vector<16xf32>
        %add3A_372 = arith.addf %mul3A_370, %mul3A_371 : vector<16xf32>
        %swap3A = arith.constant 13 : i32
        %swap3A_373 = arith.index_cast %swap3A : i32 to index
        %swap3A_374 = arith.index_cast %mul3A_348 : i32 to index
        %swap3A_375 = tpu.vector_load %arg14[%swap3A_373, %swap3A_374] {strides = array<i32>} : memref<16x384xf32, #tpu.memory_space<vmem>>, vector<16xf32>,
        tpu.vector_store %arg14[%swap3A_373, %swap3A_374], %add3A_372 {strides = array<i32>} : memref<16x384xf32, #tpu.memory_space<vmem>>, vector<16xf32>,
      }
      %scan3A_306 = arith.constant 24 : i32
      %broadcast_in_dim3A_307 = arith.constant 0 : i32
      %broadcast_in_dim3A_308 = vector.broadcast %broadcast_in_dim3A_307 : i32 to vector<16xi32>
      %mul3A_309 = arith.constant 16 : i32
      %mul3A_310 = arith.muli %scan3A_46, %mul3A_309 : i32
      %add3A_311 = arith.constant 14 : i32
      %add3A_312 = arith.addi %mul3A_310, %add3A_311 : i32
      %add3A_313 = vector.broadcast %add3A_312 : i32 to vector<16xi32>
      %add3A_314 = arith.addi %broadcast_in_dim3A_308, %add3A_313 : vector<16xi32>
      %gather3A_315 = tpu.vector_load_idx %arg9[%add3A_314] : memref<512xf32, #tpu.memory_space<vmem>>[vector<16xi32>], vector<16xf32>,
      %gather3A_316 = tpu.vector_load_idx %arg10[%add3A_314] : memref<512xf32, #tpu.memory_space<vmem>>[vector<16xi32>], vector<16xf32>,
      %gather3A_317 = tpu.vector_load_idx %arg11[%add3A_314] : memref<512xf32, #tpu.memory_space<vmem>>[vector<16xi32>], vector<16xf32>,
      %gather3A_318 = tpu.vector_load_idx %arg12[%add3A_314] : memref<512xf32, #tpu.memory_space<vmem>>[vector<16xi32>], vector<16xf32>,
      %scan3A_319 = arith.constant 0 : i32
      %scan3A_320 = arith.constant 0 : i32
      %scan3A_321 = arith.constant 24 : i32
      %scan3A_322 = arith.addi %scan3A_320, %scan3A_321 : i32
      %scan3A_323 = arith.constant 1 : i32
      scf.for %scan3A_346 = %scan3A_320 to %scan3A_322 step %scan3A_323  : i32 {
        %mul3A_347 = arith.constant 16 : i32
        %mul3A_348 = arith.muli %scan3A_346, %mul3A_347 : i32
        %get3A = arith.constant 56 : i32
        %get3A_349 = arith.index_cast %get3A : i32 to index
        %get3A_350 = arith.index_cast %mul3A_348 : i32 to index
        %get3A_351 = tpu.vector_load %arg13[%get3A_349, %get3A_350] {strides = array<i32>} : memref<64x384xf32, #tpu.memory_space<vmem>>, vector<16xf32>,
        %mul3A_352 = arith.mulf %gather3A_315, %get3A_351 : vector<16xf32>
        %get3A_353 = arith.constant 57 : i32
        %get3A_354 = arith.index_cast %get3A_353 : i32 to index
        %get3A_355 = arith.index_cast %mul3A_348 : i32 to index
        %get3A_356 = tpu.vector_load %arg13[%get3A_354, %get3A_355] {strides = array<i32>} : memref<64x384xf32, #tpu.memory_space<vmem>>, vector<16xf32>,
        %mul3A_357 = arith.mulf %gather3A_316, %get3A_356 : vector<16xf32>
        %add3A_358 = arith.addf %mul3A_352, %mul3A_357 : vector<16xf32>
        %get3A_359 = arith.constant 58 : i32
        %get3A_360 = arith.index_cast %get3A_359 : i32 to index
        %get3A_361 = arith.index_cast %mul3A_348 : i32 to index
        %get3A_362 = tpu.vector_load %arg13[%get3A_360, %get3A_361] {strides = array<i32>} : memref<64x384xf32, #tpu.memory_space<vmem>>, vector<16xf32>,
        %mul3A_363 = arith.mulf %gather3A_315, %get3A_362 : vector<16xf32>
        %get3A_364 = arith.constant 59 : i32
        %get3A_365 = arith.index_cast %get3A_364 : i32 to index
        %get3A_366 = arith.index_cast %mul3A_348 : i32 to index
        %get3A_367 = tpu.vector_load %arg13[%get3A_365, %get3A_366] {strides = array<i32>} : memref<64x384xf32, #tpu.memory_space<vmem>>, vector<16xf32>,
        %mul3A_368 = arith.mulf %gather3A_316, %get3A_367 : vector<16xf32>
        %add3A_369 = arith.addf %mul3A_363, %mul3A_368 : vector<16xf32>
        %mul3A_370 = arith.mulf %gather3A_317, %add3A_358 : vector<16xf32>
        %mul3A_371 = arith.mulf %gather3A_318, %add3A_369 : vector<16xf32>
        %add3A_372 = arith.addf %mul3A_370, %mul3A_371 : vector<16xf32>
        %swap3A = arith.constant 14 : i32
        %swap3A_373 = arith.index_cast %swap3A : i32 to index
        %swap3A_374 = arith.index_cast %mul3A_348 : i32 to index
        %swap3A_375 = tpu.vector_load %arg14[%swap3A_373, %swap3A_374] {strides = array<i32>} : memref<16x384xf32, #tpu.memory_space<vmem>>, vector<16xf32>,
        tpu.vector_store %arg14[%swap3A_373, %swap3A_374], %add3A_372 {strides = array<i32>} : memref<16x384xf32, #tpu.memory_space<vmem>>, vector<16xf32>,
      }
      %scan3A_324 = arith.constant 24 : i32
      %broadcast_in_dim3A_325 = arith.constant 0 : i32
      %broadcast_in_dim3A_326 = vector.broadcast %broadcast_in_dim3A_325 : i32 to vector<16xi32>
      %mul3A_327 = arith.constant 16 : i32
      %mul3A_328 = arith.muli %scan3A_46, %mul3A_327 : i32
      %add3A_329 = arith.constant 15 : i32
      %add3A_330 = arith.addi %mul3A_328, %add3A_329 : i32
      %add3A_331 = vector.broadcast %add3A_330 : i32 to vector<16xi32>
      %add3A_332 = arith.addi %broadcast_in_dim3A_326, %add3A_331 : vector<16xi32>
      %gather3A_333 = tpu.vector_load_idx %arg9[%add3A_332] : memref<512xf32, #tpu.memory_space<vmem>>[vector<16xi32>], vector<16xf32>,
      %gather3A_334 = tpu.vector_load_idx %arg10[%add3A_332] : memref<512xf32, #tpu.memory_space<vmem>>[vector<16xi32>], vector<16xf32>,
      %gather3A_335 = tpu.vector_load_idx %arg11[%add3A_332] : memref<512xf32, #tpu.memory_space<vmem>>[vector<16xi32>], vector<16xf32>,
      %gather3A_336 = tpu.vector_load_idx %arg12[%add3A_332] : memref<512xf32, #tpu.memory_space<vmem>>[vector<16xi32>], vector<16xf32>,
      %scan3A_337 = arith.constant 0 : i32
      %scan3A_338 = arith.constant 0 : i32
      %scan3A_339 = arith.constant 24 : i32
      %scan3A_340 = arith.addi %scan3A_338, %scan3A_339 : i32
      %scan3A_341 = arith.constant 1 : i32
      scf.for %scan3A_346 = %scan3A_338 to %scan3A_340 step %scan3A_341  : i32 {
        %mul3A_347 = arith.constant 16 : i32
        %mul3A_348 = arith.muli %scan3A_346, %mul3A_347 : i32
        %get3A = arith.constant 60 : i32
        %get3A_349 = arith.index_cast %get3A : i32 to index
        %get3A_350 = arith.index_cast %mul3A_348 : i32 to index
        %get3A_351 = tpu.vector_load %arg13[%get3A_349, %get3A_350] {strides = array<i32>} : memref<64x384xf32, #tpu.memory_space<vmem>>, vector<16xf32>,
        %mul3A_352 = arith.mulf %gather3A_333, %get3A_351 : vector<16xf32>
        %get3A_353 = arith.constant 61 : i32
        %get3A_354 = arith.index_cast %get3A_353 : i32 to index
        %get3A_355 = arith.index_cast %mul3A_348 : i32 to index
        %get3A_356 = tpu.vector_load %arg13[%get3A_354, %get3A_355] {strides = array<i32>} : memref<64x384xf32, #tpu.memory_space<vmem>>, vector<16xf32>,
        %mul3A_357 = arith.mulf %gather3A_334, %get3A_356 : vector<16xf32>
        %add3A_358 = arith.addf %mul3A_352, %mul3A_357 : vector<16xf32>
        %get3A_359 = arith.constant 62 : i32
        %get3A_360 = arith.index_cast %get3A_359 : i32 to index
        %get3A_361 = arith.index_cast %mul3A_348 : i32 to index
        %get3A_362 = tpu.vector_load %arg13[%get3A_360, %get3A_361] {strides = array<i32>} : memref<64x384xf32, #tpu.memory_space<vmem>>, vector<16xf32>,
        %mul3A_363 = arith.mulf %gather3A_333, %get3A_362 : vector<16xf32>
        %get3A_364 = arith.constant 63 : i32
        %get3A_365 = arith.index_cast %get3A_364 : i32 to index
        %get3A_366 = arith.index_cast %mul3A_348 : i32 to index
        %get3A_367 = tpu.vector_load %arg13[%get3A_365, %get3A_366] {strides = array<i32>} : memref<64x384xf32, #tpu.memory_space<vmem>>, vector<16xf32>,
        %mul3A_368 = arith.mulf %gather3A_334, %get3A_367 : vector<16xf32>
        %add3A_369 = arith.addf %mul3A_363, %mul3A_368 : vector<16xf32>
        %mul3A_370 = arith.mulf %gather3A_335, %add3A_358 : vector<16xf32>
        %mul3A_371 = arith.mulf %gather3A_336, %add3A_369 : vector<16xf32>
        %add3A_372 = arith.addf %mul3A_370, %mul3A_371 : vector<16xf32>
        %swap3A = arith.constant 15 : i32
        %swap3A_373 = arith.index_cast %swap3A : i32 to index
        %swap3A_374 = arith.index_cast %mul3A_348 : i32 to index
        %swap3A_375 = tpu.vector_load %arg14[%swap3A_373, %swap3A_374] {strides = array<i32>} : memref<16x384xf32, #tpu.memory_space<vmem>>, vector<16xf32>,
        tpu.vector_store %arg14[%swap3A_373, %swap3A_374], %add3A_372 {strides = array<i32>} : memref<16x384xf32, #tpu.memory_space<vmem>>, vector<16xf32>,
      }
      %scan3A_342 = arith.constant 24 : i32
      %mul3A_343 = arith.constant 16 : i32
      %mul3A_344 = arith.muli %scan3A_46, %mul3A_343 : i32
      %add3A_345 = arith.addi %mul3A_32, %mul3A_344 : i32
      "tpu.region"() ({
        %run_scoped3A = tpu.sem_alloc : memref<!tpu.dma_semaphore, #tpu.memory_space<semaphore_mem>>
        %dma_start3A_346 = arith.constant 0 : i32
        %dma_start3A_347 = tpu.memref_slice %arg5[%select_n3A, %add3A_345, %dma_start3A_346] : memref<4x4096x384xf32, #tpu.memory_space<hbm>> -> memref<1x16x384xf32, #tpu.memory_space<hbm>>
        %dma_start3A_348 = tpu.memref_squeeze %dma_start3A_347 : memref<1x16x384xf32, #tpu.memory_space<hbm>> -> memref<16x384xf32, #tpu.memory_space<hbm>>
        %dma_start3A_349 = arith.constant 0 : i32
        %dma_start3A_350 = tpu.memref_slice %arg5[%select_n3A, %add3A_345, %dma_start3A_349] : memref<4x4096x384xf32, #tpu.memory_space<hbm>> -> memref<1x16x384xf32, #tpu.memory_space<hbm>>
        %dma_start3A_351 = tpu.memref_squeeze %dma_start3A_350 : memref<1x16x384xf32, #tpu.memory_space<hbm>> -> memref<16x384xf32, #tpu.memory_space<hbm>>
        tpu.enqueue_dma source(%arg14 : memref<16x384xf32, #tpu.memory_space<vmem>>) target(%dma_start3A_351 : memref<16x384xf32, #tpu.memory_space<hbm>>) target_semaphore(%run_scoped3A : memref<!tpu.dma_semaphore, #tpu.memory_space<semaphore_mem>>)
        %dma_wait3A_352 = arith.constant 0 : i32
        %dma_wait3A_353 = tpu.memref_slice %arg5[%select_n3A, %add3A_345, %dma_wait3A_352] : memref<4x4096x384xf32, #tpu.memory_space<hbm>> -> memref<1x16x384xf32, #tpu.memory_space<hbm>>
        %dma_wait3A_354 = tpu.memref_squeeze %dma_wait3A_353 : memref<1x16x384xf32, #tpu.memory_space<hbm>> -> memref<16x384xf32, #tpu.memory_space<hbm>>
        %dma_wait3A_355 = arith.constant 0 : i32
        %dma_wait3A_356 = tpu.memref_slice %arg5[%select_n3A, %add3A_345, %dma_wait3A_355] : memref<4x4096x384xf32, #tpu.memory_space<hbm>> -> memref<1x16x384xf32, #tpu.memory_space<hbm>>
        %dma_wait3A_357 = tpu.memref_squeeze %dma_wait3A_356 : memref<1x16x384xf32, #tpu.memory_space<hbm>> -> memref<16x384xf32, #tpu.memory_space<hbm>>
        tpu.wait_dma2 semaphore(%run_scoped3A : memref<!tpu.dma_semaphore, #tpu.memory_space<semaphore_mem>>) src(%arg14 : memref<16x384xf32, #tpu.memory_space<vmem>>) dst(%dma_wait3A_357 : memref<16x384xf32, #tpu.memory_space<hbm>>)
        tpu.yield
      }) : () -> ()
    }
    %scan3A_45 = arith.constant 32 : i32
    return
  }
}

</mosaic_0001>

<sc_bundles>
// kernel: kernel.3.cloned.1.call-start
scs
__scs_entry_jumppad:
0x0: {  	(pc) =	sbr.rel $0x88, $3  }
0x1: {  	(tag) =	ssettag $0x0;
	lr =	simm.s32 $0x1  }
0x2: {  	[smem:$0x3F9F] =	sst lr;
	_ =	strace $0xD0000000  }
0x3: {  	_ = 	snop  }
0x4: {  	_ = 	snop  }
0x5: {  	_ = 	snop  }
0x6: {  	_ = 	snop  }
0x7: {  	_ = 	snop  }
__scs_overlays_trampoline_lowered:
0x8: {  	[smem:$0x3FAE] =	sst s0  }
0x9: {  	[smem:$0x3FAF] =	sst s1  }
0xa: {  	[smem:$0x3FB0] =	sst s2  }
0xb: {  	[smem:$0x3FB1] =	sst s3  }
0xc: {  	[smem:$0x3FB2] =	sst s4  }
0xd: {  	[smem:$0x3FB3] =	sst s5  }
0xe: {  	[smem:$0x3FB4] =	sst s6  }
0xf: {  	[smem:$0x3FB5] =	sst s7  }
0x10: {  	[smem:$0x3FB6] =	sst s8  }
0x11: {  	[smem:$0x3FB7] =	sst s9;
	s0 =	simm.s32 @!p0 $0x0  }
0x12: {  	s1 =	sld [smem:$0x3F9D];
	s0 =	simm.s32 @p0 $0x1  }
0x13: {  	[smem:$0x3FB8] =	sst s0;
	s0 =	simm.s32 @!p1 $0x0  }
0x14: {  	s2 =	sld [smem:$0x3F9C];
	s0 =	simm.s32 @p1 $0x1  }
0x15: {  	[smem:$0x3FB9] =	sst s0;
	s0 =	simm.s32 @!p2 $0x0  }
0x16: {  	s3 =	sld [smem:$0x3FDB];
	s0 =	simm.s32 @p2 $0x1  }
0x17: {  	s4 =	simm.s32 $0x1BF5;
	[smem:$0x3FBB] =	sst s0  }
0x18: {  	s0 =	sld [smem:$0x3F9E];
	_ =	swait.ge [sflag:s4], $0x0  }
0x19: {  	s7 =	sld [smem:$0x3F9F]  }
0x1a: {  	s8 =	sadd.s32 $0xFFFFE003, lr  }
0x1b: {  	s9 =	sadd.s32 $0xFFFFFEF7, lr;
	s5 =	simm.s32 $0xFFFFFFFF;
	p2 =	slt.u32 s8, $0xFFFFF086  }
0x1c: {  	p1 =	slt.u32 s9, $0xF7A;
	s5 =	simm.s32 @!p2 $0x0  }
0x1d: {  	s5 =	simm.s32 @p1 $0x1;
	p0 =	seq.s32 s7, s2  }
0x1e: {  	s7 =	smul.u32 @!p0 $0xF7A, s2;
	p2 =	seq.s32 @!p0 s5, $0x0  }
0x1f: {  	s9 =	smul.u32 $0xF7A, s1;
	s8 =	simm.s32 @!p0 $0x1BF5;
	p2 =	por !p2, p0  }
0x20: {  	[sflag:s8] =	ssyncset.s32 @!p0 $0xFFFFF086;
	s6 =	sadd.s32 @!p0 s3, s7;
	s7 =	simm.s32 @!p0 $0x108  }
0x21: {  	s3 =	sadd.s32 s3, s9;
	s6 =	sadd.s32 @!p0 $0x88, s6;
	s7 =	simm.s32 @p2 $0x1082  }
0x22: {  	[simem:s7], [sflag:s8] =	dma.local @!p0 [hbm:s6], $0xF7A  }
0x23: {  	s9 =	sor.u32 $0xD0000000, s2;
	s6 =	simm.s32 $0x108;
	_ =	swait.ge @!p0 [sflag:s8], $0x0  }
0x24: {  	s3 =	sadd.s32 $0x88, s3;
	s6 =	simm.s32 @!p1 $0x1082;
	[sflag:s4] =	ssyncset.s32 $0xFFFFF086  }
0x25: {  	[simem:s6], [sflag:s4] =	dma.local [hbm:s3], $0xF7A  }
0x26: {  	[smem:$0x3F9F] =	sst s1;
	(tag) =	ssettag s2;
	_ =	strace s9  }
0x27: {  	s1 =	sld [smem:$0x3FAF]  }
0x28: {  	s2 =	sld [smem:$0x3FB0]  }
0x29: {  	s4 =	sld [smem:$0x3FB2]  }
0x2a: {  	p0 =	seq.s32 s5, $0x0;
	s5 =	sld [smem:$0x3FB3]  }
0x2b: {  	s6 =	sld [smem:$0x3FB4]  }
0x2c: {  	s7 =	sld [smem:$0x3FB5]  }
0x2d: {  	s3 =	simm.s32 $0x108;
	s8 =	sld [smem:$0x3FB6]  }
0x2e: {  	s3 =	simm.s32 @!p0 $0x1082;
	s9 =	sld [smem:$0x3FB7]  }
0x2f: {  	lr =	sadd.s32 s0, s3;
	s0 =	sld [smem:$0x3FAE]  }
0x30: {  	s3 =	sld [smem:$0x3FB1]  }
0x31: {  	[smem:$0x3FBA] =	sst s10  }
0x32: {  	s10 =	sld [smem:$0x3FB8];
	_ =	sdelay $0x3  }
0x33: {  	p0 =	seq.s32 s10, $0x1;
	s10 =	sld [smem:$0x3FBA];
	_ =	sdelay $0x3  }
0x34: {  	[smem:$0x3FBA] =	sst s10  }
0x35: {  	s10 =	sld [smem:$0x3FB9];
	_ =	sdelay $0x3  }
0x36: {  	p1 =	seq.s32 s10, $0x1;
	s10 =	sld [smem:$0x3FBA];
	_ =	sdelay $0x3  }
0x37: {  	[smem:$0x3FBA] =	sst s10  }
0x38: {  	s10 =	sld [smem:$0x3FBB]  }
0x39: {  	_ = 	snop;
	(pc) =	sbr.ind lr, $3  }
0x3a: {  	_ = 	snop  }
0x3b: {  	_ = 	snop  }
0x3c: {  	p2 =	seq.s32 s10, $0x1;
	s10 =	sld [smem:$0x3FBA]  }
0x3d: {  	_ =	shalt  }
0x3e: {  	_ =	shalt  }
0x3f: {  	_ =	shalt  }
0x40: {  	_ =	shalt  }
0x41: {  	_ =	shalt  }
0x42: {  	_ =	shalt  }
0x43: {  	_ =	shalt  }
0x44: {  	_ =	shalt  }
0x45: {  	_ =	shalt  }
0x46: {  	_ =	shalt  }
0x47: {  	_ =	shalt  }
0x48: {  	_ =	shalt  }
0x49: {  	_ =	shalt  }
0x4a: {  	_ =	shalt  }
0x4b: {  	_ =	shalt  }
0x4c: {  	_ =	shalt  }
0x4d: {  	_ =	shalt  }
0x4e: {  	_ =	shalt  }
0x4f: {  	_ =	shalt  }
0x50: {  	_ =	shalt  }
0x51: {  	_ =	shalt  }
0x52: {  	_ =	shalt  }
0x53: {  	_ =	shalt  }
0x54: {  	_ =	shalt  }
0x55: {  	_ =	shalt  }
0x56: {  	_ =	shalt  }
0x57: {  	_ =	shalt  }
0x58: {  	_ =	shalt  }
0x59: {  	_ =	shalt  }
0x5a: {  	_ =	shalt  }
0x5b: {  	_ =	shalt  }
0x5c: {  	_ =	shalt  }
0x5d: {  	_ =	shalt  }
0x5e: {  	_ =	shalt  }
0x5f: {  	_ =	shalt  }
0x60: {  	_ =	shalt  }
0x61: {  	_ =	shalt  }
0x62: {  	_ =	shalt  }
0x63: {  	_ =	shalt  }
0x64: {  	_ =	shalt  }
0x65: {  	_ =	shalt  }
0x66: {  	_ =	shalt  }
0x67: {  	_ =	shalt  }
0x68: {  	_ =	shalt  }
0x69: {  	_ =	shalt  }
0x6a: {  	_ =	shalt  }
0x6b: {  	_ =	shalt  }
0x6c: {  	_ =	shalt  }
0x6d: {  	_ =	shalt  }
0x6e: {  	_ =	shalt  }
0x6f: {  	_ =	shalt  }
0x70: {  	_ =	shalt  }
0x71: {  	_ =	shalt  }
0x72: {  	_ =	shalt  }
0x73: {  	_ =	shalt  }
0x74: {  	_ =	shalt  }
0x75: {  	_ =	shalt  }
0x76: {  	_ =	shalt  }
0x77: {  	_ =	shalt  }
0x78: {  	_ =	shalt  }
0x79: {  	_ =	shalt  }
0x7a: {  	_ =	shalt  }
0x7b: {  	_ =	shalt  }
0x7c: {  	_ =	shalt  }
0x7d: {  	_ =	shalt  }
0x7e: {  	_ =	shalt  }
0x7f: {  	_ =	shalt  }
0x80: {  	_ =	shalt  }
0x81: {  	_ =	shalt  }
0x82: {  	_ =	shalt  }
0x83: {  	_ =	shalt  }
0x84: {  	_ =	shalt  }
0x85: {  	_ =	shalt  }
0x86: {  	_ =	shalt  }
0x87: {  	_ =	shalt  }
.Lfunc_end0:
.L_simem_size_0:
called_computation_lowered:
.L_overlay_start_0:
0x88: {  	s2 =	sld [smem:$0x3FD9]  }
0x89: {  	s3 =	sld [smem:$0x3FFE];
	_ =	sdelay $0x1  }
0x8a: {  	s1 =	srdreg.scid  }
0x8b: {  	s0 =	sand.u32 $0x1, s1  }
0x8c: {  	s14 =	sshll.u32 s0, $0xA;
	s2 =	sadd.s32 s3, s2  }
0x8d: {  	s2 =	sadd.s32 s2, s14  }
0x8e: {  	[smem:$0x3FC6] =	sst s2  }
0x8f: {  	_ = 	snop  }
0x90: {  	s2 =	sld [smem:$0x3FD0];
	_ =	sdelay $0x2  }
0x91: {  	s4 =	simm.s32 $0xA;
	s5 =	simm.s32 $0x10;
	s15 =	sld [smem:$0x3FC8]  }
0x92: {  	[smem:s5], [sflag:s4] =	dma.local [hbm:s2], $0x1  }
0x93: {  	_ =	swait.eq [sflag:s4], $0x1  }
0x94: {  	[sflag:s4] =	ssyncset.done $0x0  }
0x95: {  	[sflag:s4] =	ssyncadd.s32 $0xFFFFFFFF  }
0x96: {  	s16 =	sld [smem:$0x11];
	(tm) =	ssettm $0x1  }
0x97: {  	s17 =	sld [smem:$0x3FFB];
	_ =	sdelay $0x3  }
0x98: {  	_ =	strace s17  }
0x99: {  	s4 =	sld [smem:$0x3FFC];
	_ =	sdelay $0x3  }
0x9a: {  	_ =	strace s4  }
0x9b: {  	s4 =	sld [smem:$0x3FFD];
	_ =	sdelay $0x3  }
0x9c: {  	_ =	strace s4  }
0x9d: {  	_ =	strace $0x8FFFFFFF  }
0x9e: {  	s18 =	sld [smem:$0x3FDB];
	_ =	sdelay $0x1  }
0x9f: {  	s19 =	simm.s32 $_scs_section_size  }
0xa0: {  	s6 =	simm.s32 $_size__tile_overlayer_lowered;
	s7 =	simm.s32 $_tile_overlayer_lowered  }
0xa1: {  	s22 =	simm.s32 $0x1BFF;
	s21 =	sshll.u32 s7, $0x1;
	s4 =	sadd.s32 s19, s18  }
0xa2: {  	s8 =	simm.s32 $0x0;
	s20 =	sshll.u32 s6, $0x1;
	s6 =	sadd.s32 s21, s4  }
0xa3: {  	[timem:s8], [sflag:s22] =	dma.local [hbm:s6], s20  }
0xa4: {  	_ =	swait.ge [sflag:s22], s20  }
0xa5: {  	s5 =	ssub.s32 $0x0, s20;
	[sflag:s22] =	ssyncset.done $0x0  }
0xa6: {  	[sflag:s22] =	ssyncadd.s32 s5;
	_ =	sdelay $0x1  }
0xa7: {  	s23 =	simm.s32 $0x1B8B  }
0xa8: {  	_ =	swait.ge [sflag:s23], $0x1  }
0xa9: {  	[sflag:s23] =	ssyncset.done $0x0  }
0xaa: {  	s25 =	simm.s32 $0x1B8E;
	s24 =	sld [smem:$0x3FFE];
	[sflag:s23] =	ssyncadd.s32 $0xFFFFFFFF  }
0xab: {  	s26 =	simm.s32 $execute0_lowered;
	[smem:$0x3FD2] =	sst s25  }
0xac: {  	s6 =	sshll.u32 s26, $0x1;
	_ =	strace $0x80000046;
	[dreg:$0x1] =	wrdreg $0xFFFFFFFF  }
0xad: {  	s28 =	simm.s32 $_size_execute0_lowered;
	s4 =	sadd.s32 s4, s6;
	[dreg:$0x0] =	wrdreg $0x0  }
0xae: {  	s6 =	sshll.u32 s28, $0x1;
	[dreg:$0x2] =	wrdreg s4  }
0xaf: {  	[dreg:$0x3] =	wrdreg s6  }
0xb0: {  	[dreg:$0x4] =	wrdreg $0xC0  }
0xb1: {  	_ =	task [dreg:s8], $0x5FFFF  }
0xb2: {  	[dreg:$0x1] =	wrdreg $0xFFFFFFFF  }
0xb3: {  	[dreg:$0x0] =	wrdreg $0x60  }
0xb4: {  	[dreg:$0x2] =	wrdreg s24  }
0xb5: {  	[dreg:$0x3] =	wrdreg s15  }
0xb6: {  	[dreg:$0x4] =	wrdreg s16  }
0xb7: {  	[dreg:$0x5] =	wrdreg $0x9  }
0xb8: {  	_ =	task.clear_ibuf [dreg:s8], $0x6FFFF;
	_ =	strace $0x90000046  }
0xb9: {  	s29 =	simm.s32 $0x9;
	_ =	strace $0x80000048  }
0xba: {  	_ =	swait.ge [sflag:s29], $0x1  }
0xbb: {  	[sflag:s29] =	ssyncadd.s32 $0xFFFFFFFF  }
0xbc: {  	_ =	strace $0x90000048  }
0xbd: {  	_ =	sfence  }
0xbe: {  	s30 =	sld [smem:$0x0];
	_ =	sdelay $0x2  }
0xbf: {  	s31 =	sshll.u32 s1, $0xD;
	s1 =	sshrl.u32 s1, $0x2  }
0xc0: {  	s3 =	sand.u32 $0x4000, s31;
	s1 =	sadd.s32 s1, s30  }
0xc1: {  	s0 =	sor.u32 s3, s0;
	s1 =	sshll.u32 s1, $0x11  }
0xc2: {  	s0 =	sor.u32 s1, s0  }
0xc3: {  	s0 =	sadd.s32 $0x8F2B, s0  }
0xc4: {  	[sflag:s0] =	ssyncadd.remote.s32 $0x1  }
0xc5: {  	_ =	sfence.sel $0xFFFF  }
0xc6: {  	[dreg:$0x0] =	wrdreg $0xFFFFFFFF;
	(pc) =	sbr.abs _section_cstart, $3  }
0xc7: {  	[dreg:$0x1] =	wrdreg $0xFFFFFFFF  }
0xc8: {  	_ =	task.clear_ibuf [dreg:s8], $0x2FFFF;
	_ =	strace $0x9FFFFFFF  }
0xc9: {  	(tm) =	ssettm $0x7FFFFFFF  }
tec
execute0_lowered:
.L_overlay_start_1:
0x0: {  	(tag) =	ssettag $0x1  }
0x1: {  	s0 =	rddreg [dreg:$0x0]  }
0x2: {  	s2 =	rddreg [dreg:$0x1]  }
0x3: {  	s5 =	stileid.u32;
	s1 =	srdreg.scid;
	s4 =	simm.s32 $0x0  }
0x4: {  	s12 =	simm.s32 $0x2;
	s13 =	simm.s32 $0x400;
	s24 =	simm.s32 $0x5800  }
0x5: {  	s28 =	simm.s32 $0x6C00;
	s29 =	simm.s32 $0x7000;
	s30 =	simm.s32 $0x7800  }
0x6: {  	s31 =	simm.s32 $0x1;
	s11 =	simm.s32 $0x1800;
	s10 =	simm.s32 $0x0  }
0x7: {  	s3 =	sshll.u32 s5, $0x1;
	s1 =	sand.u32 $0x1, s1;
	s6 =	sshrl.u32 s5, $0x2  }
0x8: {  	[smem:$0x7FF] =	sst s4;
	s8 =	sadd.s32 $0x100, s2;
	s3 =	sand.u32 $0x6, s3  }
0x9: {  	s7 =	sshll.u32 s6, $0x4;
	_ =	strace $0x80000047;
	s23 =	smul.u32 $0xC400, s6  }
0xa: {  	s9 =	smul.u32 $0x180000, s6;
	s3 =	sor.u32 s1, s3;
	s1 =	ssub.s32 $0x2, s1  }
0xb: {  	s6 =	simm.s32 $0x1A00;
	s21 =	sshll.u32 s3, $0x8;
	s22 =	sshrl.u32 s1, $0x1  }
0xc: {  	v7 =	vlaneseq.u32;
	s5 =	sor.u32 s7, s21;
	s1 =	ssub.s32 s1, s22;
	s7 =	simm.s32 $0x7C00  }
0xd: {  	vm0 =	vmmov $0xffff;
	v0 =	vmul.u32 $0x4, v7;
	s0 =	sadd.s32 s5, s0;
	s5 =	sshll.u32 s3, $0x9;
	s26 =	smax.u32 s1, $0x1  }
0xe: {  	vm1 =	vmmov $0xff;
	v6 =	vshrl.u32 v7, $0x3;
	v5 =	vand.u32 $0x7, v7;
	s1 =	simm.s32 $0x1400;
	s25 =	sadd.s32 $0x1400, s0;
	[dreg:$0x6] =	wrdreg s26  }
0xf: {  	v7 =	vor.u32 $0x8, v7;
	v6 =	vmul.u32 $0x8, v6;
	v2 =	vor.u32 $0x1, v0;
	s0 =	sadd.s32 $0xC00, s0;
	s26 =	simm.s32 $0x6400;
	[dreg:$0x4] =	wrdreg s25  }
0x10: {  	v3 =	vor.u32 $0x2, v0;
	v4 =	vor.u32 $0x3, v0;
	v1 =	vmov s23;
	[dreg:$0x5] =	wrdreg s0;
	s25 =	simm.s32 $0x6000;
	s0 =	simm.s32 $0x1600  }
.LBB2_1:
0x11: {  	[dreg:$0x7] =	wrdreg s10  }
0x12: {  	s3 =	simm.s32 $0x200;
	s21 =	rddreg [dreg:$0x4];
	s14 =	simm.s32 $0x80  }
0x13: {  	[tilespmem:s4], [sflag:$0x2] =	stream.strided.gather [hbm4b:s21+s14], $0x200, s3, s14, $0x38;
	[tilespmem:$0x9400] =	vst v63  }
0x14: {  	_ =	swait.ge [sflag:s12], $0x200  }
0x15: {  	[sflag:s12] =	ssyncset.done $0x0  }
0x16: {  	s22 =	rddreg [dreg:$0x5];
	[sflag:s12] =	ssyncadd.s32 $0xFFFFFE00  }
0x17: {  	[tilespmem:s3], [sflag:$0x2] =	stream.strided.gather [hbm4b:s22+s14], $0x200, s3, s14, $0x38;
	[tilespmem:$0x9400] =	vst v63  }
0x18: {  	_ =	swait.ge [sflag:s12], $0x200  }
0x19: {  	[sflag:s12] =	ssyncset.done $0x0  }
0x1a: {  	[sflag:s12] =	ssyncadd.s32 $0xFFFFFE00  }
0x1b: {  	v8 =	vld [tilespmem:s4+$0x0]  }
0x1c: {  	v9 =	vld [tilespmem:s3+$0x0];
	_ =	sdelay $0x3  }
0x1d: {  	v8 =	vadd.f32 $5.120000080e+01, v8  }
0x1e: {  	v9 =	vadd.f32 $5.120000080e+01, v9  }
0x1f: {  	v8 =	vmul.f32 $2.177734380e+00, v8  }
0x20: {  	v9 =	vmul.f32 $2.177734380e+00, v9  }
0x21: {  	v8 =	vmax.f32 v8, $-8.000000000e+00  }
0x22: {  	v15 =	vmin.f32 v8, $2.320000000e+02;
	v8 =	vmax.f32 v9, $-8.000000000e+00  }
0x23: {  	v9 =	vtrunc.f32 v15;
	v14 =	vmin.f32 v8, $2.320000000e+02  }
0x24: {  	v8 =	vcvt.f32.s32 v9;
	v9 =	vtrunc.f32 v14  }
0x25: {  	v9 =	vcvt.f32.s32 v9  }
0x26: {  	v10 =	vcvt.s32.f32 v8  }
0x27: {  	s23 =	simm.s32 $0x0;
	v16 =	vcvt.s32.f32 v9  }
0x28: {  	v12 =	vor.u32 s23, v0;
	v11 =	vor.u32 s23, v3;
	v9 =	vadd.f32 $-1.000000000e+00, v10  }
0x29: {  	v8 =	vor.u32 s23, v2;
	vm2 =	vlt.f32 v15, v10;
	v17 =	vadd.f32 $-1.000000000e+00, v16  }
0x2a: {  	s18 =	simm.s32 $0x1;
	vm3 =	vlt.f32 v14, v16;
	v13 =	vsel vm2, v9, v10;
	v9 =	vor.u32 s23, v4  }
0x2b: {  	s19 =	simm.s32 $0x1610;
	s20 =	simm.s32 $0x1810;
	s17 =	simm.s32 $0x1600;
	v18 =	vmax.f32 v13, $0.0e+00;
	v19 =	vadd.f32 $1.000000000e+00, v13;
	v10 =	vsel vm3, v17, v16  }
0x2c: {  	s15 =	simm.s32 $0x1800;
	s16 =	simm.s32 $0x1A00;
	s21 =	simm.s32 $0x1A10;
	v16 =	vmin.f32 v18, $2.230000000e+02;
	v20 =	vmax.f32 v10, $0.0e+00;
	v18 =	vadd.f32 $1.000000000e+00, v10  }
0x2d: {  	s22 =	simm.s32 $0x0;
	s14 =	simm.s32 $0x1400;
	s23 =	simm.s32 $0x1400;
	v16 =	vtrunc.f32 v16;
	v17 =	vmax.f32 v19, $0.0e+00;
	v19 =	vmin.f32 v20, $2.230000000e+02  }
.LBB2_2:
0x2e: {  	v15 =	vsub.f32 v15, v13;
	v19 =	vtrunc.f32 v19;
	v18 =	vmax.f32 v18, $0.0e+00;
	s22 =	sadd.s32 $0x10, s22;
	s3 =	sadd.s32 $0x10, s3;
	s23 =	sadd.s32 $0x10, s23  }
0x2f: {  	p0 =	sne.s32 s18, $0x1F;
	v14 =	vsub.f32 v14, v10;
	s10 =	smov.u32 s18;
	s18 =	sadd.s32 $0x1, s18;
	v19 =	vcvt.f32.s32 v19;
	v18 =	vmin.f32 v18, $2.230000000e+02  }
0x30: {  	vm2 =	vge.f32 v13, $0.0e+00;
	v20 =	vsub.f32 $1.000000000e+00, v15;
	v18 =	vtrunc.f32 v18  }
0x31: {  	v17 =	vmin.f32 v17, $2.230000000e+02;
	v18 =	vcvt.f32.s32 v18;
	v19 =	vmul.u32 $0xE0, v19  }
0x32: {  	v16 =	vcvt.f32.s32 v16;
	v17 =	vtrunc.f32 v17;
	v21 =	vsub.f32 $1.000000000e+00, v14  }
0x33: {  	v17 =	vcvt.f32.s32 v17;
	v19 =	vadd.s32 v1, v19;
	v18 =	vmul.u32 $0xE0, v18  }
0x34: {  	vm3 =	vge.f32 v13, $-1.000000000e+00;
	vm4 =	vle.f32 v13, $2.220000000e+02;
	v22 =	vadd.s32 v16, v19  }
0x35: {  	vm3 =	vmand vm3, vm4;
	v18 =	vadd.s32 v1, v18;
	[tilespmem:v12+s13+$0x0] =	vst.idx.msk $0xffff, v22;
	v12 =	vadd.s32 v17, v19  }
0x36: {  	vm4 =	vle.f32 v13, $2.230000000e+02;
	v13 =	vnsel vm3, $0x0, v15;
	[tilespmem:v8+s13+$0x0] =	vst.idx.msk $0xffff, v12;
	v8 =	vadd.s32 v16, v18  }
0x37: {  	vm2 =	vmand vm2, vm4;
	vm3 =	vge.f32 v10, $0.0e+00;
	[tilespmem:v11+s13+$0x0] =	vst.idx.msk $0xffff, v8;
	v8 =	vadd.s32 v17, v18  }
0x38: {  	vm4 =	vge.f32 v10, $-1.000000000e+00;
	v11 =	vnsel vm2, $0x0, v20;
	vm2 =	vle.f32 v10, $2.230000000e+02;
	[tilespmem:v9+s13+$0x0] =	vst.idx.msk $0xffff, v8  }
0x39: {  	vm2 =	vmand vm3, vm2;
	vm3 =	vle.f32 v10, $2.220000000e+02;
	[tilespmem:s14+$0x0] =	vst v11;
	s14 =	smov.u32 s23  }
0x3a: {  	v8 =	vnsel vm2, $0x0, v21;
	vm2 =	vmand vm4, vm3;
	[tilespmem:s17+$0x0] =	vst v13;
	s17 =	smov.u32 s19  }
0x3b: {  	v9 =	vnsel vm2, $0x0, v14;
	[tilespmem:s15+$0x0] =	vst v8;
	s15 =	smov.u32 s20  }
0x3c: {  	[tilespmem:s16+$0x0] =	vst v9;
	s16 =	smov.u32 s21  }
0x3d: {  	v8 =	vld [tilespmem:s22+$0x0]  }
0x3e: {  	v9 =	vld [tilespmem:s3+$0x0];
	_ =	sdelay $0x3  }
0x3f: {  	v8 =	vadd.f32 $5.120000080e+01, v8  }
0x40: {  	v9 =	vadd.f32 $5.120000080e+01, v9  }
0x41: {  	v8 =	vmul.f32 $2.177734380e+00, v8  }
0x42: {  	v9 =	vmul.f32 $2.177734380e+00, v9  }
0x43: {  	v8 =	vmax.f32 v8, $-8.000000000e+00  }
0x44: {  	v15 =	vmin.f32 v8, $2.320000000e+02;
	v8 =	vmax.f32 v9, $-8.000000000e+00  }
0x45: {  	v9 =	vtrunc.f32 v15;
	v14 =	vmin.f32 v8, $2.320000000e+02  }
0x46: {  	v8 =	vcvt.f32.s32 v9;
	v9 =	vtrunc.f32 v14  }
0x47: {  	s10 =	sshll.u32 s10, $0x7;
	v9 =	vcvt.f32.s32 v9  }
0x48: {  	v10 =	vcvt.s32.f32 v8;
	v8 =	vor.u32 s10, v2  }
0x49: {  	v12 =	vor.u32 s10, v0;
	v16 =	vcvt.s32.f32 v9  }
0x4a: {  	vm2 =	vlt.f32 v15, v10;
	v9 =	vadd.f32 $-1.000000000e+00, v10  }
.Ltmp0:
0x4b: {  	vm3 =	vlt.f32 v14, v16;
	v17 =	vadd.f32 $-1.000000000e+00, v16;
	(pc) =	sbr.rel @p0 .LBB2_2-.Ltmp0, $4  }
0x4c: {  	v11 =	vor.u32 s10, v3;
	v13 =	vsel vm2, v9, v10;
	v9 =	vor.u32 s10, v4  }
0x4d: {  	v18 =	vmax.f32 v13, $0.0e+00;
	v19 =	vadd.f32 $1.000000000e+00, v13;
	v10 =	vsel vm3, v17, v16  }
0x4e: {  	s10 =	simm.s32 $0x0;
	v16 =	vmin.f32 v18, $2.230000000e+02;
	v20 =	vmax.f32 v10, $0.0e+00;
	v18 =	vadd.f32 $1.000000000e+00, v10  }
0x4f: {  	s19 =	sadd.s32 $0x10, s19;
	s20 =	sadd.s32 $0x10, s20;
	s21 =	sadd.s32 $0x10, s21;
	v16 =	vtrunc.f32 v16;
	v17 =	vmax.f32 v19, $0.0e+00;
	v19 =	vmin.f32 v20, $2.230000000e+02  }
0x50: {  	v19 =	vtrunc.f32 v19;
	v18 =	vmax.f32 v18, $0.0e+00  }
0x51: {  	v15 =	vsub.f32 v15, v13;
	v19 =	vcvt.f32.s32 v19;
	v18 =	vmin.f32 v18, $2.230000000e+02  }
0x52: {  	v14 =	vsub.f32 v14, v10;
	vm2 =	vge.f32 v13, $0.0e+00;
	v18 =	vtrunc.f32 v18  }
0x53: {  	v17 =	vmin.f32 v17, $2.230000000e+02;
	v18 =	vcvt.f32.s32 v18;
	v19 =	vmul.u32 $0xE0, v19  }
0x54: {  	v16 =	vcvt.f32.s32 v16;
	vm3 =	vge.f32 v13, $-1.000000000e+00;
	v17 =	vtrunc.f32 v17  }
0x55: {  	v17 =	vcvt.f32.s32 v17;
	v19 =	vadd.s32 v1, v19;
	v18 =	vmul.u32 $0xE0, v18  }
0x56: {  	vm4 =	vle.f32 v13, $2.220000000e+02;
	vm14 =	vle.f32 v13, $2.230000000e+02;
	v22 =	vadd.s32 v16, v19  }
0x57: {  	vm3 =	vmand vm3, vm4;
	v60 =	vadd.s32 v17, v19;
	v18 =	vadd.s32 v1, v18;
	[tilespmem:v12+s13+$0x0] =	vst.idx.msk $0xffff, v22  }
0x58: {  	vm2 =	vmand vm2, vm14;
	v20 =	vsub.f32 $1.000000000e+00, v15;
	[tilespmem:v8+s13+$0x0] =	vst.idx.msk $0xffff, v60;
	v8 =	vadd.s32 v16, v18  }
0x59: {  	v21 =	vsub.f32 $1.000000000e+00, v14;
	v61 =	vnsel vm3, $0x0, v15;
	[tilespmem:v11+s13+$0x0] =	vst.idx.msk $0xffff, v8;
	v8 =	vadd.s32 v17, v18  }
0x5a: {  	vm3 =	vge.f32 v10, $0.0e+00;
	v62 =	vnsel vm2, $0x0, v20;
	vm2 =	vle.f32 v10, $2.230000000e+02;
	[tilespmem:v9+s13+$0x0] =	vst.idx.msk $0xffff, v8  }
0x5b: {  	vm15 =	vge.f32 v10, $-1.000000000e+00;
	vm2 =	vmand vm3, vm2;
	vm3 =	vle.f32 v10, $2.220000000e+02;
	[tilespmem:s14+$0x0] =	vst v62  }
0x5c: {  	v8 =	vnsel vm2, $0x0, v21;
	vm2 =	vmand vm15, vm3;
	[tilespmem:s17+$0x0] =	vst v61  }
0x5d: {  	v63 =	vnsel vm2, $0x0, v14;
	[tilespmem:s15+$0x0] =	vst v8  }
0x5e: {  	s3 =	simm.s32 $0x0;
	s22 =	rddreg [dreg:$0x2];
	s23 =	simm.s32 $0x1C00;
	[tilespmem:s16+$0x0] =	vst v63  }
.LBB2_4:
0x5f: {  	s14 =	sshll.u32 s3, $0x7  }
0x60: {  	s14 =	sand.u32 $0x3FFFFF80, s14  }
0x61: {  	v8 =	vld [tilespmem:s14+$0x400];
	_ =	sdelay $0x4  }
0x62: {  	v9 =	vshrl.u32 v8, $0x3  }
0x63: {  	v9 =	vmul.u32 $0x18, v9  }
0x64: {  	v8 =	vand.u32 $0x7, v8  }
0x65: {  	v8 =	vor.u32 v8, v9  }
0x66: {  	v9 =	vperm.xlane v8, v5;
	_ =	sdelay $0x1  }
0x67: {  	v9 =	vadd.s32 v6, v9;
	_ =	sdelay $0x1  }
0x68: {  	v8 =	vperm.xlane v8, v7;
	_ =	sdelay $0x1  }
0x69: {  	v8 =	vadd.s32 v6, v8  }
0x6a: {  	[tilespmem:s23], [sflag:$0x1] =	stream.indirect_vreg.gather [hbm4b:s2+s10], $0x80, v9, vm0, $0xb8;
	[tilespmem:$0x9400] =	vst v63  }
0x6b: {  	s15 =	simm.s32 $0x2400  }
0x6c: {  	[tilespmem:s15], [sflag:$0x1] =	stream.indirect_vreg.gather [hbm4b:s8+s10], $0x80, v9, vm1, $0xb8;
	[tilespmem:$0x9400] =	vst v63  }
0x6d: {  	s17 =	simm.s32 $0x2800  }
0x6e: {  	[tilespmem:s17], [sflag:$0x1] =	stream.indirect_vreg.gather [hbm4b:s2+s10], $0x80, v8, vm0, $0xb8;
	[tilespmem:$0x9400] =	vst v63  }
0x6f: {  	s18 =	simm.s32 $0x3000  }
0x70: {  	[tilespmem:s18], [sflag:$0x1] =	stream.indirect_vreg.gather [hbm4b:s8+s10], $0x80, v8, vm1, $0xb8;
	[tilespmem:$0x9400] =	vst v63  }
0x71: {  	v8 =	vld [tilespmem:s14+$0x410];
	_ =	sdelay $0x4  }
0x72: {  	v9 =	vshrl.u32 v8, $0x3  }
0x73: {  	v9 =	vmul.u32 $0x18, v9  }
0x74: {  	v8 =	vand.u32 $0x7, v8  }
0x75: {  	v8 =	vor.u32 v8, v9  }
0x76: {  	v9 =	vperm.xlane v8, v5;
	_ =	sdelay $0x1  }
0x77: {  	v9 =	vadd.s32 v6, v9;
	_ =	sdelay $0x1  }
0x78: {  	v8 =	vperm.xlane v8, v7;
	_ =	sdelay $0x1  }
0x79: {  	s19 =	simm.s32 $0x3400;
	v8 =	vadd.s32 v6, v8  }
0x7a: {  	[tilespmem:s19], [sflag:$0x1] =	stream.indirect_vreg.gather [hbm4b:s2+s10], $0x80, v9, vm0, $0xb8;
	[tilespmem:$0x9400] =	vst v63  }
0x7b: {  	s20 =	simm.s32 $0x3C00  }
0x7c: {  	[tilespmem:s20], [sflag:$0x1] =	stream.indirect_vreg.gather [hbm4b:s8+s10], $0x80, v9, vm1, $0xb8;
	[tilespmem:$0x9400] =	vst v63  }
0x7d: {  	s21 =	simm.s32 $0x4000  }
0x7e: {  	[tilespmem:s21], [sflag:$0x1] =	stream.indirect_vreg.gather [hbm4b:s2+s10], $0x80, v8, vm0, $0xb8;
	[tilespmem:$0x9400] =	vst v63  }
0x7f: {  	s16 =	simm.s32 $0x4800  }
0x80: {  	[tilespmem:s16], [sflag:$0x1] =	stream.indirect_vreg.gather [hbm4b:s8+s10], $0x80, v8, vm1, $0xb8;
	[tilespmem:$0x9400] =	vst v63  }
0x81: {  	v8 =	vld [tilespmem:s14+$0x420];
	_ =	sdelay $0x4  }
0x82: {  	v9 =	vshrl.u32 v8, $0x3  }
0x83: {  	v9 =	vmul.u32 $0x18, v9  }
0x84: {  	v8 =	vand.u32 $0x7, v8  }
0x85: {  	v8 =	vor.u32 v8, v9  }
0x86: {  	v9 =	vperm.xlane v8, v5;
	_ =	sdelay $0x1  }
0x87: {  	v9 =	vadd.s32 v6, v9;
	_ =	sdelay $0x1  }
0x88: {  	v8 =	vperm.xlane v8, v7;
	_ =	sdelay $0x1  }
0x89: {  	s17 =	simm.s32 $0x4C00;
	v8 =	vadd.s32 v6, v8  }
0x8a: {  	[tilespmem:s17], [sflag:$0x1] =	stream.indirect_vreg.gather [hbm4b:s2+s10], $0x80, v9, vm0, $0xb8;
	[tilespmem:$0x9400] =	vst v63  }
0x8b: {  	s18 =	simm.s32 $0x5400  }
0x8c: {  	[tilespmem:s18], [sflag:$0x1] =	stream.indirect_vreg.gather [hbm4b:s8+s10], $0x80, v9, vm1, $0xb8;
	[tilespmem:$0x9400] =	vst v63  }
0x8d: {  	_ = 	snop  }
0x8e: {  	[tilespmem:s24], [sflag:$0x1] =	stream.indirect_vreg.gather [hbm4b:s2+s10], $0x80, v8, vm0, $0xb8;
	[tilespmem:$0x9400] =	vst v63  }
0x8f: {  	_ = 	snop  }
0x90: {  	[tilespmem:s25], [sflag:$0x1] =	stream.indirect_vreg.gather [hbm4b:s8+s10], $0x80, v8, vm1, $0xb8;
	[tilespmem:$0x9400] =	vst v63  }
0x91: {  	v8 =	vld [tilespmem:s14+$0x430];
	_ =	sdelay $0x4  }
0x92: {  	v9 =	vshrl.u32 v8, $0x3  }
0x93: {  	v9 =	vmul.u32 $0x18, v9  }
0x94: {  	v8 =	vand.u32 $0x7, v8  }
0x95: {  	v8 =	vor.u32 v8, v9  }
0x96: {  	v9 =	vperm.xlane v8, v5;
	_ =	sdelay $0x1  }
0x97: {  	v9 =	vadd.s32 v6, v9;
	_ =	sdelay $0x1  }
0x98: {  	v8 =	vperm.xlane v8, v7;
	_ =	sdelay $0x1  }
0x99: {  	v8 =	vadd.s32 v6, v8  }
0x9a: {  	[tilespmem:s26], [sflag:$0x1] =	stream.indirect_vreg.gather [hbm4b:s2+s10], $0x80, v9, vm0, $0xb8;
	[tilespmem:$0x9400] =	vst v63  }
0x9b: {  	s14 =	sshll.u32 s3, $0x4  }
0x9c: {  	[tilespmem:s28], [sflag:$0x1] =	stream.indirect_vreg.gather [hbm4b:s8+s10], $0x80, v9, vm1, $0xb8;
	[tilespmem:$0x9400] =	vst v63  }
0x9d: {  	v9 =	vmov s14  }
0x9e: {  	v11 =	vbroadcast v9, $0x0;
	[tilespmem:s29], [sflag:$0x1] =	stream.indirect_vreg.gather [hbm4b:s2+s10], $0x80, v8, vm0, $0xb8;
	[tilespmem:$0x9400] =	vst v63  }
0x9f: {  	_ = 	snop  }
0xa0: {  	[tilespmem:s30], [sflag:$0x1] =	stream.indirect_vreg.gather [hbm4b:s8+s10], $0x80, v8, vm1, $0xb8;
	[tilespmem:$0x9400] =	vst v63  }
0xa1: {  	_ =	swait.ge [sflag:s31], $0x6000  }
0xa2: {  	[sflag:s31] =	ssyncset.done $0x0  }
0xa3: {  	[sflag:s31] =	ssyncadd.s32 $0xFFFFA000  }
0xa4: {  	s19 =	sand.u32 $0x70, s10;
	s16 =	sand.u32 $0xC00, s10;
	v8 =	vld.idx.msk [tilespmem:v11+s1+$0x0], $0xffff  }
0xa5: {  	s15 =	sor.u32 s19, s16;
	v10 =	vld.idx.msk [tilespmem:v11+s0+$0x0], $0xffff  }
0xa6: {  	v12 =	vld [tilespmem:s15+$0x1C00]  }
0xa7: {  	v13 =	vld [tilespmem:s15+$0x1C80]  }
0xa8: {  	v14 =	vld [tilespmem:s15+$0x1D00]  }
0xa9: {  	s20 =	simm.s32 $0x10;
	s17 =	simm.s32 $0x80;
	v15 =	vld [tilespmem:s15+$0x1D80]  }
0xaa: {  	s16 =	sand.u32 $0x70, s20;
	s17 =	sand.u32 $0xC00, s17;
	v9 =	vld.idx.msk [tilespmem:v11+s11+$0x0], $0xffff  }
0xab: {  	s16 =	sor.u32 s16, s17;
	v11 =	vld.idx.msk [tilespmem:v11+s6+$0x0], $0xffff  }
0xac: {  	v16 =	vld [tilespmem:s16+$0x1C00]  }
0xad: {  	v18 =	vld [tilespmem:s16+$0x1C80];
	v12 =	vmul.f32 v12, v8;
	v13 =	vmul.f32 v13, v10  }
0xae: {  	s21 =	simm.s32 $0x20;
	s18 =	simm.s32 $0x100;
	v20 =	vld [tilespmem:s16+$0x1D00];
	v14 =	vmul.f32 v14, v8;
	v15 =	vmul.f32 v15, v10  }
0xaf: {  	s17 =	sand.u32 $0x70, s21;
	s18 =	sand.u32 $0xC00, s18;
	v21 =	vld [tilespmem:s16+$0x1D80]  }
0xb0: {  	s17 =	sor.u32 s17, s18;
	v12 =	vadd.f32 v13, v12;
	v14 =	vadd.f32 v15, v14  }
0xb1: {  	v13 =	vld [tilespmem:s17+$0x1C00]  }
0xb2: {  	v15 =	vmul.f32 v12, v9;
	v22 =	vmul.f32 v14, v11;
	v12 =	vld [tilespmem:s17+$0x1C80]  }
0xb3: {  	v17 =	vmul.f32 v16, v8;
	v19 =	vmul.f32 v18, v10;
	v14 =	vld [tilespmem:s17+$0x1D00]  }
0xb4: {  	s19 =	simm.s32 $0x180;
	s18 =	simm.s32 $0x30;
	v18 =	vmul.f32 v20, v8;
	v20 =	vmul.f32 v21, v10;
	v16 =	vadd.f32 v22, v15;
	v15 =	vld [tilespmem:s17+$0x1D80]  }
.LBB2_5:
0xb5: {  	s20 =	sand.u32 $0x70, s18  }
0xb6: {  	s21 =	sand.u32 $0xC00, s19;
	v17 =	vadd.f32 v19, v17;
	v18 =	vadd.f32 v20, v18;
	[tilespmem:s15+$0x7C00] =	vst v16;
	s15 =	smov.u32 s16;
	p0 =	sne.s32 s18, $0x170  }
.Ltmp1:
0xb7: {  	s16 =	smov.u32 s17;
	v16 =	vmov v13;
	s17 =	sor.u32 s20, s21;
	(pc) =	sbr.rel @p0 .LBB2_5-.Ltmp1, $4  }
0xb8: {  	v13 =	vld [tilespmem:s17+$0x1C00];
	v21 =	vmul.f32 v17, v9;
	v22 =	vmul.f32 v18, v11  }
0xb9: {  	s18 =	sadd.s32 $0x10, s18;
	v17 =	vmul.f32 v16, v8;
	v19 =	vmul.f32 v12, v10;
	v12 =	vld [tilespmem:s17+$0x1C80]  }
0xba: {  	v18 =	vmul.f32 v14, v8;
	v14 =	vld [tilespmem:s17+$0x1D00];
	v20 =	vmul.f32 v15, v10;
	v16 =	vadd.f32 v22, v21  }
0xbb: {  	s19 =	sadd.s32 $0x80, s19;
	v15 =	vld [tilespmem:s17+$0x1D80]  }
0xbc: {  	_ =	sdelay $0x2  }
0xbd: {  	v17 =	vadd.f32 v19, v17;
	v13 =	vmul.f32 v13, v8;
	v12 =	vmul.f32 v12, v10  }
0xbe: {  	s18 =	sor.u32 $0x1, s14;
	v8 =	vmul.f32 v14, v8;
	v10 =	vmul.f32 v15, v10  }
0xbf: {  	v63 =	vmov s18;
	v14 =	vadd.f32 v20, v18;
	v15 =	vmul.f32 v17, v9  }
0xc0: {  	v12 =	vadd.f32 v12, v13;
	v8 =	vadd.f32 v10, v8;
	v10 =	vand.u32 $0xFFFFFFF1, v63  }
0xc1: {  	v13 =	vmul.f32 v14, v11;
	v14 =	vbroadcast v10, $0x0  }
0xc2: {  	v9 =	vmul.f32 v12, v9;
	v8 =	vmul.f32 v8, v11  }
0xc3: {  	v10 =	vadd.f32 v13, v15  }
0xc4: {  	[tilespmem:s15+$0x7C00] =	vst v16;
	v8 =	vadd.f32 v8, v9  }
0xc5: {  	[tilespmem:s16+$0x7C00] =	vst v10  }
0xc6: {  	s21 =	simm.s32 $0x0;
	[tilespmem:s17+$0x7C00] =	vst v8  }
0xc7: {  	s18 =	sand.u32 $0x70, s21;
	s19 =	sand.u32 $0xC00, s21;
	v8 =	vld.idx.msk [tilespmem:v14+s1+$0x0], $0xffff  }
0xc8: {  	s15 =	sor.u32 s18, s19;
	v9 =	vld.idx.msk [tilespmem:v14+s0+$0x0], $0xffff  }
0xc9: {  	v12 =	vld [tilespmem:s15+$0x1E00]  }
0xca: {  	s16 =	sor.u32 s21, s21;
	v13 =	vld [tilespmem:s15+$0x1E80]  }
0xcb: {  	s16 =	sor.u32 $0x380, s16;
	v15 =	vld [tilespmem:s15+$0x1F00]  }
0xcc: {  	v16 =	vld [tilespmem:s16+$0x1C00];
	_ =	sdelay $0x2  }
0xcd: {  	v10 =	vld.idx.msk [tilespmem:v14+s11+$0x0], $0xffff  }
0xce: {  	v11 =	vld.idx.msk [tilespmem:v14+s6+$0x0], $0xffff;
	v12 =	vmul.f32 v12, v8;
	v13 =	vmul.f32 v13, v9  }
0xcf: {  	v14 =	vmul.f32 v15, v8;
	v15 =	vmul.f32 v16, v9;
	_ =	sdelay $0x1  }
0xd0: {  	v12 =	vadd.f32 v13, v12;
	v13 =	vadd.f32 v15, v14  }
0xd1: {  	s20 =	simm.s32 $0x10;
	s16 =	simm.s32 $0x80  }
0xd2: {  	s21 =	sand.u32 $0x70, s20;
	s19 =	sand.u32 $0xC00, s16;
	v14 =	vmul.f32 v12, v10;
	v13 =	vmul.f32 v13, v11  }
0xd3: {  	s18 =	sor.u32 s21, s19  }
0xd4: {  	v12 =	vld [tilespmem:s18+$0x1E00];
	v14 =	vadd.f32 v13, v14  }
0xd5: {  	s17 =	simm.s32 $0x20;
	s19 =	sor.u32 s16, s20;
	v13 =	vld [tilespmem:s18+$0x1E80]  }
.LBB2_7:
0xd6: {  	p0 =	sne.s32 s17, $0x170;
	v15 =	vld [tilespmem:s18+$0x1F00];
	s19 =	sor.u32 $0x380, s19;
	[tilespmem:s15+$0x7C80] =	vst v14;
	s15 =	smov.u32 s18  }
0xd7: {  	v14 =	vld [tilespmem:s19+$0x1C00];
	_ =	sdelay $0x3  }
0xd8: {  	v12 =	vmul.f32 v12, v8;
	v13 =	vmul.f32 v13, v9  }
0xd9: {  	v15 =	vmul.f32 v15, v8;
	v14 =	vmul.f32 v14, v9;
	_ =	sdelay $0x1  }
0xda: {  	v12 =	vadd.f32 v13, v12;
	v13 =	vadd.f32 v14, v15  }
.Ltmp2:
0xdb: {  	s16 =	sadd.s32 $0x80, s16;
	(pc) =	sbr.rel @p0 .LBB2_7-.Ltmp2, $4  }
0xdc: {  	s18 =	sand.u32 $0x70, s17;
	s19 =	sand.u32 $0xC00, s16;
	v14 =	vmul.f32 v12, v10;
	v13 =	vmul.f32 v13, v11  }
0xdd: {  	s18 =	sor.u32 s18, s19  }
0xde: {  	v12 =	vld [tilespmem:s18+$0x1E00];
	v14 =	vadd.f32 v13, v14  }
0xdf: {  	s19 =	sor.u32 s16, s17;
	s17 =	sadd.s32 $0x10, s17;
	v13 =	vld [tilespmem:s18+$0x1E80]  }
0xe0: {  	v15 =	vld [tilespmem:s18+$0x1F00];
	s16 =	sor.u32 $0x380, s19;
	[tilespmem:s15+$0x7C80] =	vst v14  }
0xe1: {  	v14 =	vld [tilespmem:s16+$0x1C00];
	_ =	sdelay $0x3  }
0xe2: {  	v12 =	vmul.f32 v12, v8;
	v13 =	vmul.f32 v13, v9  }
0xe3: {  	s16 =	sor.u32 $0x2, s14;
	v8 =	vmul.f32 v15, v8;
	v9 =	vmul.f32 v14, v9  }
0xe4: {  	v14 =	vmov s16  }
0xe5: {  	v12 =	vadd.f32 v13, v12;
	v8 =	vadd.f32 v9, v8;
	v9 =	vand.u32 $0xFFFFFFF2, v14  }
0xe6: {  	v13 =	vbroadcast v9, $0x0  }
0xe7: {  	v9 =	vmul.f32 v12, v10;
	v8 =	vmul.f32 v8, v11;
	_ =	sdelay $0x1  }
0xe8: {  	v8 =	vadd.f32 v8, v9;
	_ =	sdelay $0x1  }
0xe9: {  	s17 =	simm.s32 $0x0;
	[tilespmem:s18+$0x7C80] =	vst v8  }
0xea: {  	s15 =	sand.u32 $0xC00, s17;
	s18 =	sand.u32 $0x70, s17;
	v8 =	vld.idx.msk [tilespmem:v13+s1+$0x0], $0xffff  }
0xeb: {  	v10 =	vld.idx.msk [tilespmem:v13+s0+$0x0], $0xffff;
	s15 =	sor.u32 s18, s15  }
0xec: {  	v12 =	vld [tilespmem:s15+$0x2800]  }
0xed: {  	v14 =	vld [tilespmem:s15+$0x2880]  }
0xee: {  	v15 =	vld [tilespmem:s15+$0x2900]  }
0xef: {  	s19 =	simm.s32 $0x10;
	s17 =	simm.s32 $0x80;
	v16 =	vld [tilespmem:s15+$0x2980]  }
0xf0: {  	s16 =	sand.u32 $0x70, s19;
	v9 =	vld.idx.msk [tilespmem:v13+s11+$0x0], $0xffff;
	s17 =	sand.u32 $0xC00, s17  }
0xf1: {  	v11 =	vld.idx.msk [tilespmem:v13+s6+$0x0], $0xffff;
	s16 =	sor.u32 s16, s17  }
0xf2: {  	v17 =	vld [tilespmem:s16+$0x2800]  }
0xf3: {  	v18 =	vld [tilespmem:s16+$0x2880];
	v12 =	vmul.f32 v12, v8;
	v13 =	vmul.f32 v14, v10  }
0xf4: {  	s20 =	simm.s32 $0x20;
	s21 =	simm.s32 $0x100;
	v20 =	vld [tilespmem:s16+$0x2900];
	v14 =	vmul.f32 v15, v8;
	v15 =	vmul.f32 v16, v10  }
0xf5: {  	s18 =	sand.u32 $0xC00, s21;
	s17 =	sand.u32 $0x70, s20;
	v16 =	vld [tilespmem:s16+$0x2980]  }
0xf6: {  	s17 =	sor.u32 s17, s18;
	v12 =	vadd.f32 v13, v12;
	v14 =	vadd.f32 v15, v14  }
0xf7: {  	v13 =	vld [tilespmem:s17+$0x2800]  }
0xf8: {  	v15 =	vmul.f32 v12, v9;
	v21 =	vmul.f32 v14, v11;
	v12 =	vld [tilespmem:s17+$0x2880]  }
0xf9: {  	v17 =	vmul.f32 v17, v8;
	v19 =	vmul.f32 v18, v10;
	v14 =	vld [tilespmem:s17+$0x2900]  }
0xfa: {  	s19 =	simm.s32 $0x180;
	s18 =	simm.s32 $0x30;
	v18 =	vmul.f32 v20, v8;
	v20 =	vmul.f32 v16, v10;
	v16 =	vadd.f32 v21, v15;
	v15 =	vld [tilespmem:s17+$0x2980]  }
.LBB2_9:
0xfb: {  	s20 =	sand.u32 $0x70, s18  }
0xfc: {  	s21 =	sand.u32 $0xC00, s19;
	v17 =	vadd.f32 v19, v17;
	v18 =	vadd.f32 v20, v18;
	[tilespmem:s15+$0x7D00] =	vst v16;
	s15 =	smov.u32 s16;
	p0 =	sne.s32 s18, $0x170  }
.Ltmp3:
0xfd: {  	s16 =	smov.u32 s17;
	v16 =	vmov v13;
	s17 =	sor.u32 s20, s21;
	(pc) =	sbr.rel @p0 .LBB2_9-.Ltmp3, $4  }
0xfe: {  	v13 =	vld [tilespmem:s17+$0x2800];
	v21 =	vmul.f32 v17, v9;
	v22 =	vmul.f32 v18, v11  }
0xff: {  	s18 =	sadd.s32 $0x10, s18;
	v17 =	vmul.f32 v16, v8;
	v19 =	vmul.f32 v12, v10;
	v12 =	vld [tilespmem:s17+$0x2880]  }
0x100: {  	v18 =	vmul.f32 v14, v8;
	v14 =	vld [tilespmem:s17+$0x2900];
	v20 =	vmul.f32 v15, v10;
	v16 =	vadd.f32 v22, v21  }
0x101: {  	s19 =	sadd.s32 $0x80, s19;
	v15 =	vld [tilespmem:s17+$0x2980]  }
0x102: {  	_ =	sdelay $0x2  }
0x103: {  	v17 =	vadd.f32 v19, v17;
	v13 =	vmul.f32 v13, v8;
	v12 =	vmul.f32 v12, v10  }
0x104: {  	s18 =	sor.u32 $0x3, s14;
	v8 =	vmul.f32 v14, v8;
	v10 =	vmul.f32 v15, v10  }
0x105: {  	v14 =	vadd.f32 v20, v18;
	v15 =	vmul.f32 v17, v9;
	v17 =	vmov s18  }
0x106: {  	v12 =	vadd.f32 v12, v13;
	v8 =	vadd.f32 v10, v8;
	v10 =	vand.u32 $0xFFFFFFF3, v17  }
0x107: {  	v13 =	vmul.f32 v14, v11;
	v14 =	vbroadcast v10, $0x0  }
0x108: {  	v9 =	vmul.f32 v12, v9;
	v8 =	vmul.f32 v8, v11  }
0x109: {  	v10 =	vadd.f32 v13, v15  }
0x10a: {  	[tilespmem:s15+$0x7D00] =	vst v16;
	v8 =	vadd.f32 v8, v9  }
0x10b: {  	[tilespmem:s16+$0x7D00] =	vst v10  }
0x10c: {  	s16 =	simm.s32 $0x0;
	[tilespmem:s17+$0x7D00] =	vst v8  }
0x10d: {  	s15 =	sand.u32 $0xC00, s16;
	s17 =	sand.u32 $0x70, s16;
	v8 =	vld.idx.msk [tilespmem:v14+s1+$0x0], $0xffff  }
0x10e: {  	v10 =	vld.idx.msk [tilespmem:v14+s0+$0x0], $0xffff;
	s15 =	sor.u32 s17, s15  }
0x10f: {  	v12 =	vld [tilespmem:s15+$0x2A00]  }
0x110: {  	v13 =	vld [tilespmem:s15+$0x2A80]  }
0x111: {  	v15 =	vld [tilespmem:s15+$0x2B00]  }
0x112: {  	s19 =	simm.s32 $0x80;
	s18 =	simm.s32 $0x10;
	v16 =	vld [tilespmem:s15+$0x2B80]  }
0x113: {  	s16 =	sand.u32 $0x70, s18;
	v9 =	vld.idx.msk [tilespmem:v14+s11+$0x0], $0xffff;
	s17 =	sand.u32 $0xC00, s19  }
0x114: {  	v11 =	vld.idx.msk [tilespmem:v14+s6+$0x0], $0xffff;
	s16 =	sor.u32 s16, s17  }
0x115: {  	v14 =	vld [tilespmem:s16+$0x2A00]  }
0x116: {  	v18 =	vld [tilespmem:s16+$0x2A80];
	v12 =	vmul.f32 v12, v8;
	v13 =	vmul.f32 v13, v10  }
0x117: {  	s20 =	simm.s32 $0x20;
	s21 =	simm.s32 $0x100;
	v20 =	vld [tilespmem:s16+$0x2B00];
	v15 =	vmul.f32 v15, v8;
	v16 =	vmul.f32 v16, v10  }
0x118: {  	s18 =	sand.u32 $0xC00, s21;
	s17 =	sand.u32 $0x70, s20;
	v21 =	vld [tilespmem:s16+$0x2B80]  }
0x119: {  	s17 =	sor.u32 s17, s18;
	v12 =	vadd.f32 v13, v12;
	v15 =	vadd.f32 v16, v15  }
0x11a: {  	v17 =	vmul.f32 v14, v8;
	v14 =	vld [tilespmem:s17+$0x2B00]  }
0x11b: {  	v13 =	vld [tilespmem:s17+$0x2A00];
	v16 =	vmul.f32 v12, v9;
	v15 =	vmul.f32 v15, v11  }
0x11c: {  	v19 =	vmul.f32 v18, v10;
	v12 =	vld [tilespmem:s17+$0x2A80]  }
0x11d: {  	s19 =	simm.s32 $0x180;
	s18 =	simm.s32 $0x30;
	v18 =	vmul.f32 v20, v8;
	v20 =	vmul.f32 v21, v10;
	v16 =	vadd.f32 v15, v16;
	v15 =	vld [tilespmem:s17+$0x2B80]  }
.LBB2_11:
0x11e: {  	s20 =	sand.u32 $0x70, s18  }
0x11f: {  	s21 =	sand.u32 $0xC00, s19;
	v17 =	vadd.f32 v19, v17;
	v18 =	vadd.f32 v20, v18;
	[tilespmem:s15+$0x7D80] =	vst v16;
	s15 =	smov.u32 s16;
	p0 =	sne.s32 s18, $0x170  }
.Ltmp4:
0x120: {  	s16 =	smov.u32 s17;
	v16 =	vmov v13;
	s17 =	sor.u32 s20, s21;
	(pc) =	sbr.rel @p0 .LBB2_11-.Ltmp4, $4  }
0x121: {  	v13 =	vld [tilespmem:s17+$0x2A00];
	v21 =	vmul.f32 v17, v9;
	v22 =	vmul.f32 v18, v11  }
0x122: {  	s18 =	sadd.s32 $0x10, s18;
	v17 =	vmul.f32 v16, v8;
	v19 =	vmul.f32 v12, v10;
	v12 =	vld [tilespmem:s17+$0x2A80]  }
0x123: {  	v18 =	vmul.f32 v14, v8;
	v14 =	vld [tilespmem:s17+$0x2B00];
	v20 =	vmul.f32 v15, v10;
	v16 =	vadd.f32 v22, v21  }
0x124: {  	s19 =	sadd.s32 $0x80, s19;
	v15 =	vld [tilespmem:s17+$0x2B80]  }
0x125: {  	_ =	sdelay $0x2  }
0x126: {  	v17 =	vadd.f32 v19, v17;
	v13 =	vmul.f32 v13, v8;
	v12 =	vmul.f32 v12, v10  }
0x127: {  	s18 =	sor.u32 $0x4, s14;
	v8 =	vmul.f32 v14, v8;
	v10 =	vmul.f32 v15, v10  }
0x128: {  	v14 =	vadd.f32 v20, v18;
	v15 =	vmul.f32 v17, v9;
	v17 =	vmov s18  }
0x129: {  	v12 =	vadd.f32 v12, v13;
	v8 =	vadd.f32 v10, v8;
	v10 =	vand.u32 $0xFFFFFFF4, v17  }
0x12a: {  	v13 =	vmul.f32 v14, v11;
	v14 =	vbroadcast v10, $0x0  }
0x12b: {  	v9 =	vmul.f32 v12, v9;
	v8 =	vmul.f32 v8, v11  }
0x12c: {  	v10 =	vadd.f32 v13, v15  }
0x12d: {  	[tilespmem:s15+$0x7D80] =	vst v16;
	v8 =	vadd.f32 v8, v9  }
0x12e: {  	[tilespmem:s16+$0x7D80] =	vst v10  }
0x12f: {  	s16 =	simm.s32 $0x0;
	[tilespmem:s17+$0x7D80] =	vst v8  }
0x130: {  	s15 =	sand.u32 $0xC00, s16;
	s17 =	sand.u32 $0x70, s16;
	v8 =	vld.idx.msk [tilespmem:v14+s1+$0x0], $0xffff  }
0x131: {  	v10 =	vld.idx.msk [tilespmem:v14+s0+$0x0], $0xffff;
	s15 =	sor.u32 s17, s15  }
0x132: {  	v12 =	vld [tilespmem:s15+$0x3400]  }
0x133: {  	v13 =	vld [tilespmem:s15+$0x3480]  }
0x134: {  	v15 =	vld [tilespmem:s15+$0x3500]  }
0x135: {  	s19 =	simm.s32 $0x80;
	s18 =	simm.s32 $0x10;
	v16 =	vld [tilespmem:s15+$0x3580]  }
0x136: {  	s16 =	sand.u32 $0x70, s18;
	v9 =	vld.idx.msk [tilespmem:v14+s11+$0x0], $0xffff;
	s17 =	sand.u32 $0xC00, s19  }
0x137: {  	v11 =	vld.idx.msk [tilespmem:v14+s6+$0x0], $0xffff;
	s16 =	sor.u32 s16, s17  }
0x138: {  	v14 =	vld [tilespmem:s16+$0x3400]  }
0x139: {  	v18 =	vld [tilespmem:s16+$0x3480];
	v12 =	vmul.f32 v12, v8;
	v13 =	vmul.f32 v13, v10  }
0x13a: {  	s20 =	simm.s32 $0x20;
	s21 =	simm.s32 $0x100;
	v20 =	vld [tilespmem:s16+$0x3500];
	v15 =	vmul.f32 v15, v8;
	v16 =	vmul.f32 v16, v10  }
0x13b: {  	s18 =	sand.u32 $0xC00, s21;
	s17 =	sand.u32 $0x70, s20;
	v21 =	vld [tilespmem:s16+$0x3580]  }
0x13c: {  	s17 =	sor.u32 s17, s18;
	v12 =	vadd.f32 v13, v12;
	v15 =	vadd.f32 v16, v15  }
0x13d: {  	v17 =	vmul.f32 v14, v8;
	v14 =	vld [tilespmem:s17+$0x3500]  }
0x13e: {  	v13 =	vld [tilespmem:s17+$0x3400];
	v16 =	vmul.f32 v12, v9;
	v15 =	vmul.f32 v15, v11  }
0x13f: {  	v19 =	vmul.f32 v18, v10;
	v12 =	vld [tilespmem:s17+$0x3480]  }
0x140: {  	s19 =	simm.s32 $0x180;
	s18 =	simm.s32 $0x30;
	v18 =	vmul.f32 v20, v8;
	v20 =	vmul.f32 v21, v10;
	v16 =	vadd.f32 v15, v16;
	v15 =	vld [tilespmem:s17+$0x3580]  }
.LBB2_13:
0x141: {  	s20 =	sand.u32 $0x70, s18  }
0x142: {  	s21 =	sand.u32 $0xC00, s19;
	v17 =	vadd.f32 v19, v17;
	v18 =	vadd.f32 v20, v18;
	[tilespmem:s15+$0x7E00] =	vst v16;
	s15 =	smov.u32 s16;
	p0 =	sne.s32 s18, $0x170  }
.Ltmp5:
0x143: {  	s16 =	smov.u32 s17;
	v16 =	vmov v13;
	s17 =	sor.u32 s20, s21;
	(pc) =	sbr.rel @p0 .LBB2_13-.Ltmp5, $4  }
0x144: {  	v13 =	vld [tilespmem:s17+$0x3400];
	v21 =	vmul.f32 v17, v9;
	v22 =	vmul.f32 v18, v11  }
0x145: {  	s18 =	sadd.s32 $0x10, s18;
	v17 =	vmul.f32 v16, v8;
	v19 =	vmul.f32 v12, v10;
	v12 =	vld [tilespmem:s17+$0x3480]  }
0x146: {  	v18 =	vmul.f32 v14, v8;
	v14 =	vld [tilespmem:s17+$0x3500];
	v20 =	vmul.f32 v15, v10;
	v16 =	vadd.f32 v22, v21  }
0x147: {  	s19 =	sadd.s32 $0x80, s19;
	v15 =	vld [tilespmem:s17+$0x3580]  }
0x148: {  	_ =	sdelay $0x2  }
0x149: {  	v17 =	vadd.f32 v19, v17;
	v13 =	vmul.f32 v13, v8;
	v12 =	vmul.f32 v12, v10  }
0x14a: {  	s18 =	sor.u32 $0x5, s14;
	v8 =	vmul.f32 v14, v8;
	v10 =	vmul.f32 v15, v10  }
0x14b: {  	v14 =	vadd.f32 v20, v18;
	v15 =	vmul.f32 v17, v9;
	v17 =	vmov s18  }
0x14c: {  	v12 =	vadd.f32 v12, v13;
	v8 =	vadd.f32 v10, v8;
	v10 =	vand.u32 $0xFFFFFFF5, v17  }
0x14d: {  	v13 =	vmul.f32 v14, v11;
	v14 =	vbroadcast v10, $0x0  }
0x14e: {  	v9 =	vmul.f32 v12, v9;
	v8 =	vmul.f32 v8, v11  }
0x14f: {  	v10 =	vadd.f32 v13, v15  }
0x150: {  	[tilespmem:s15+$0x7E00] =	vst v16;
	v8 =	vadd.f32 v8, v9  }
0x151: {  	[tilespmem:s16+$0x7E00] =	vst v10  }
0x152: {  	s16 =	simm.s32 $0x0;
	[tilespmem:s17+$0x7E00] =	vst v8  }
0x153: {  	s15 =	sand.u32 $0xC00, s16;
	s17 =	sand.u32 $0x70, s16;
	v8 =	vld.idx.msk [tilespmem:v14+s1+$0x0], $0xffff  }
0x154: {  	v10 =	vld.idx.msk [tilespmem:v14+s0+$0x0], $0xffff;
	s15 =	sor.u32 s17, s15  }
0x155: {  	v12 =	vld [tilespmem:s15+$0x3600]  }
0x156: {  	v13 =	vld [tilespmem:s15+$0x3680]  }
0x157: {  	v15 =	vld [tilespmem:s15+$0x3700]  }
0x158: {  	s19 =	simm.s32 $0x80;
	s18 =	simm.s32 $0x10;
	v16 =	vld [tilespmem:s15+$0x3780]  }
0x159: {  	s16 =	sand.u32 $0x70, s18;
	v9 =	vld.idx.msk [tilespmem:v14+s11+$0x0], $0xffff;
	s17 =	sand.u32 $0xC00, s19  }
0x15a: {  	v11 =	vld.idx.msk [tilespmem:v14+s6+$0x0], $0xffff;
	s16 =	sor.u32 s16, s17  }
0x15b: {  	v14 =	vld [tilespmem:s16+$0x3600]  }
0x15c: {  	v18 =	vld [tilespmem:s16+$0x3680];
	v12 =	vmul.f32 v12, v8;
	v13 =	vmul.f32 v13, v10  }
0x15d: {  	s20 =	simm.s32 $0x20;
	s21 =	simm.s32 $0x100;
	v20 =	vld [tilespmem:s16+$0x3700];
	v15 =	vmul.f32 v15, v8;
	v16 =	vmul.f32 v16, v10  }
0x15e: {  	s18 =	sand.u32 $0xC00, s21;
	s17 =	sand.u32 $0x70, s20;
	v21 =	vld [tilespmem:s16+$0x3780]  }
0x15f: {  	s17 =	sor.u32 s17, s18;
	v12 =	vadd.f32 v13, v12;
	v15 =	vadd.f32 v16, v15  }
0x160: {  	v17 =	vmul.f32 v14, v8;
	v14 =	vld [tilespmem:s17+$0x3700]  }
0x161: {  	v13 =	vld [tilespmem:s17+$0x3600];
	v16 =	vmul.f32 v12, v9;
	v15 =	vmul.f32 v15, v11  }
0x162: {  	v19 =	vmul.f32 v18, v10;
	v12 =	vld [tilespmem:s17+$0x3680]  }
0x163: {  	s19 =	simm.s32 $0x180;
	s18 =	simm.s32 $0x30;
	v18 =	vmul.f32 v20, v8;
	v20 =	vmul.f32 v21, v10;
	v16 =	vadd.f32 v15, v16;
	v15 =	vld [tilespmem:s17+$0x3780]  }
.LBB2_15:
0x164: {  	s20 =	sand.u32 $0x70, s18  }
0x165: {  	s21 =	sand.u32 $0xC00, s19;
	v17 =	vadd.f32 v19, v17;
	v18 =	vadd.f32 v20, v18;
	[tilespmem:s15+$0x7E80] =	vst v16;
	s15 =	smov.u32 s16;
	p0 =	sne.s32 s18, $0x170  }
.Ltmp6:
0x166: {  	s16 =	smov.u32 s17;
	v16 =	vmov v13;
	s17 =	sor.u32 s20, s21;
	(pc) =	sbr.rel @p0 .LBB2_15-.Ltmp6, $4  }
0x167: {  	v13 =	vld [tilespmem:s17+$0x3600];
	v21 =	vmul.f32 v17, v9;
	v22 =	vmul.f32 v18, v11  }
0x168: {  	s18 =	sadd.s32 $0x10, s18;
	v17 =	vmul.f32 v16, v8;
	v19 =	vmul.f32 v12, v10;
	v12 =	vld [tilespmem:s17+$0x3680]  }
0x169: {  	v18 =	vmul.f32 v14, v8;
	v14 =	vld [tilespmem:s17+$0x3700];
	v20 =	vmul.f32 v15, v10;
	v16 =	vadd.f32 v22, v21  }
0x16a: {  	s19 =	sadd.s32 $0x80, s19;
	v15 =	vld [tilespmem:s17+$0x3780]  }
0x16b: {  	_ =	sdelay $0x2  }
0x16c: {  	v17 =	vadd.f32 v19, v17;
	v13 =	vmul.f32 v13, v8;
	v12 =	vmul.f32 v12, v10  }
0x16d: {  	s18 =	sor.u32 $0x6, s14;
	v8 =	vmul.f32 v14, v8;
	v10 =	vmul.f32 v15, v10  }
0x16e: {  	v14 =	vadd.f32 v20, v18;
	v15 =	vmul.f32 v17, v9;
	v17 =	vmov s18  }
0x16f: {  	v12 =	vadd.f32 v12, v13;
	v8 =	vadd.f32 v10, v8;
	v10 =	vand.u32 $0xFFFFFFF6, v17  }
0x170: {  	v13 =	vmul.f32 v14, v11;
	v14 =	vbroadcast v10, $0x0  }
0x171: {  	v9 =	vmul.f32 v12, v9;
	v8 =	vmul.f32 v8, v11  }
0x172: {  	v10 =	vadd.f32 v13, v15  }
0x173: {  	[tilespmem:s15+$0x7E80] =	vst v16;
	v8 =	vadd.f32 v8, v9  }
0x174: {  	[tilespmem:s16+$0x7E80] =	vst v10  }
0x175: {  	s16 =	simm.s32 $0x0;
	[tilespmem:s17+$0x7E80] =	vst v8  }
0x176: {  	s15 =	sand.u32 $0xC00, s16;
	s17 =	sand.u32 $0x70, s16;
	v8 =	vld.idx.msk [tilespmem:v14+s1+$0x0], $0xffff  }
0x177: {  	v10 =	vld.idx.msk [tilespmem:v14+s0+$0x0], $0xffff;
	s15 =	sor.u32 s17, s15  }
0x178: {  	v12 =	vld [tilespmem:s15+$0x4000]  }
0x179: {  	v13 =	vld [tilespmem:s15+$0x4080]  }
0x17a: {  	v15 =	vld [tilespmem:s15+$0x4100]  }
0x17b: {  	s19 =	simm.s32 $0x80;
	s18 =	simm.s32 $0x10;
	v16 =	vld [tilespmem:s15+$0x4180]  }
0x17c: {  	s16 =	sand.u32 $0x70, s18;
	v9 =	vld.idx.msk [tilespmem:v14+s11+$0x0], $0xffff;
	s17 =	sand.u32 $0xC00, s19  }
0x17d: {  	v11 =	vld.idx.msk [tilespmem:v14+s6+$0x0], $0xffff;
	s16 =	sor.u32 s16, s17  }
0x17e: {  	v14 =	vld [tilespmem:s16+$0x4000]  }
0x17f: {  	v18 =	vld [tilespmem:s16+$0x4080];
	v12 =	vmul.f32 v12, v8;
	v13 =	vmul.f32 v13, v10  }
0x180: {  	s20 =	simm.s32 $0x20;
	s21 =	simm.s32 $0x100;
	v20 =	vld [tilespmem:s16+$0x4100];
	v15 =	vmul.f32 v15, v8;
	v16 =	vmul.f32 v16, v10  }
0x181: {  	s18 =	sand.u32 $0xC00, s21;
	s17 =	sand.u32 $0x70, s20;
	v21 =	vld [tilespmem:s16+$0x4180]  }
0x182: {  	s17 =	sor.u32 s17, s18;
	v12 =	vadd.f32 v13, v12;
	v15 =	vadd.f32 v16, v15  }
0x183: {  	v17 =	vmul.f32 v14, v8;
	v14 =	vld [tilespmem:s17+$0x4100]  }
0x184: {  	v13 =	vld [tilespmem:s17+$0x4000];
	v16 =	vmul.f32 v12, v9;
	v15 =	vmul.f32 v15, v11  }
0x185: {  	v19 =	vmul.f32 v18, v10;
	v12 =	vld [tilespmem:s17+$0x4080]  }
0x186: {  	s19 =	simm.s32 $0x180;
	s18 =	simm.s32 $0x30;
	v18 =	vmul.f32 v20, v8;
	v20 =	vmul.f32 v21, v10;
	v16 =	vadd.f32 v15, v16;
	v15 =	vld [tilespmem:s17+$0x4180]  }
.LBB2_17:
0x187: {  	s20 =	sand.u32 $0x70, s18  }
0x188: {  	s21 =	sand.u32 $0xC00, s19;
	v17 =	vadd.f32 v19, v17;
	v18 =	vadd.f32 v20, v18;
	[tilespmem:s15+$0x7F00] =	vst v16;
	s15 =	smov.u32 s16;
	p0 =	sne.s32 s18, $0x170  }
.Ltmp7:
0x189: {  	s16 =	smov.u32 s17;
	v16 =	vmov v13;
	s17 =	sor.u32 s20, s21;
	(pc) =	sbr.rel @p0 .LBB2_17-.Ltmp7, $4  }
0x18a: {  	v13 =	vld [tilespmem:s17+$0x4000];
	v21 =	vmul.f32 v17, v9;
	v22 =	vmul.f32 v18, v11  }
0x18b: {  	s18 =	sadd.s32 $0x10, s18;
	v17 =	vmul.f32 v16, v8;
	v19 =	vmul.f32 v12, v10;
	v12 =	vld [tilespmem:s17+$0x4080]  }
0x18c: {  	v18 =	vmul.f32 v14, v8;
	v14 =	vld [tilespmem:s17+$0x4100];
	v20 =	vmul.f32 v15, v10;
	v16 =	vadd.f32 v22, v21  }
0x18d: {  	s19 =	sadd.s32 $0x80, s19;
	v15 =	vld [tilespmem:s17+$0x4180]  }
0x18e: {  	_ =	sdelay $0x2  }
0x18f: {  	v17 =	vadd.f32 v19, v17;
	v13 =	vmul.f32 v13, v8;
	v12 =	vmul.f32 v12, v10  }
0x190: {  	s18 =	sor.u32 $0x7, s14;
	v8 =	vmul.f32 v14, v8;
	v10 =	vmul.f32 v15, v10  }
0x191: {  	v63 =	vmov s18;
	v14 =	vadd.f32 v20, v18;
	v15 =	vmul.f32 v17, v9  }
0x192: {  	v12 =	vadd.f32 v12, v13;
	v8 =	vadd.f32 v10, v8;
	v10 =	vand.u32 $0xFFFFFFF7, v63  }
0x193: {  	v13 =	vmul.f32 v14, v11;
	v14 =	vbroadcast v10, $0x0  }
0x194: {  	v9 =	vmul.f32 v12, v9;
	v8 =	vmul.f32 v8, v11  }
0x195: {  	v10 =	vadd.f32 v13, v15  }
0x196: {  	[tilespmem:s15+$0x7F00] =	vst v16;
	v8 =	vadd.f32 v8, v9  }
0x197: {  	[tilespmem:s16+$0x7F00] =	vst v10  }
0x198: {  	[tilespmem:s17+$0x7F00] =	vst v8  }
0x199: {  	v10 =	vld.idx.msk [tilespmem:v14+s1+$0x0], $0xffff  }
0x19a: {  	s15 =	simm.s32 $0x0;
	v11 =	vld.idx.msk [tilespmem:v14+s0+$0x0], $0xffff  }
0x19b: {  	s20 =	sand.u32 $0x70, s15;
	s21 =	sand.u32 $0xC00, s15;
	v8 =	vld.idx.msk [tilespmem:v14+s11+$0x0], $0xffff  }
0x19c: {  	s18 =	sor.u32 s20, s21;
	v9 =	vld.idx.msk [tilespmem:v14+s6+$0x0], $0xffff  }
0x19d: {  	v12 =	vld [tilespmem:s18+$0x4200]  }
0x19e: {  	s16 =	simm.s32 $0x0;
	s17 =	simm.s32 $0x10;
	v13 =	vld [tilespmem:s18+$0x4280]  }
.LBB2_19:
0x19f: {  	p0 =	sne.s32 s17, $0x170;
	v14 =	vld [tilespmem:s18+$0x4300]  }
0x1a0: {  	v15 =	vld [tilespmem:s18+$0x4380];
	_ =	sdelay $0x3  }
0x1a1: {  	v12 =	vmul.f32 v12, v10;
	v13 =	vmul.f32 v13, v11  }
0x1a2: {  	v14 =	vmul.f32 v14, v10;
	v15 =	vmul.f32 v15, v11;
	_ =	sdelay $0x1  }
0x1a3: {  	v12 =	vadd.f32 v13, v12;
	v13 =	vadd.f32 v15, v14;
	_ =	sdelay $0x1  }
0x1a4: {  	v12 =	vmul.f32 v12, v8;
	v13 =	vmul.f32 v13, v9;
	_ =	sdelay $0x1  }
.Ltmp8:
0x1a5: {  	s15 =	sor.u32 s16, s15;
	s16 =	sadd.s32 $0x80, s16;
	v12 =	vadd.f32 v13, v12;
	(pc) =	sbr.rel @p0 .LBB2_19-.Ltmp8, $4  }
0x1a6: {  	s18 =	sand.u32 $0x70, s17;
	s19 =	sand.u32 $0xC00, s16;
	s15 =	sor.u32 $0x380, s15  }
0x1a7: {  	s18 =	sor.u32 s18, s19;
	[tilespmem:s15+$0x7C00] =	vst v12;
	s15 =	smov.u32 s17  }
0x1a8: {  	v12 =	vld [tilespmem:s18+$0x4200]  }
0x1a9: {  	s17 =	sadd.s32 $0x10, s17;
	v13 =	vld [tilespmem:s18+$0x4280]  }
0x1aa: {  	v14 =	vld [tilespmem:s18+$0x4300]  }
0x1ab: {  	v15 =	vld [tilespmem:s18+$0x4380];
	_ =	sdelay $0x3  }
0x1ac: {  	v12 =	vmul.f32 v12, v10;
	v13 =	vmul.f32 v13, v11  }
0x1ad: {  	s17 =	sor.u32 $0x8, s14;
	v10 =	vmul.f32 v14, v10;
	v11 =	vmul.f32 v15, v11  }
0x1ae: {  	v14 =	vmov s17  }
0x1af: {  	v12 =	vadd.f32 v13, v12;
	v10 =	vadd.f32 v11, v10;
	v11 =	vand.u32 $0xFFFFFFF8, v14  }
0x1b0: {  	v11 =	vbroadcast v11, $0x0  }
0x1b1: {  	v8 =	vmul.f32 v12, v8;
	v9 =	vmul.f32 v10, v9;
	_ =	sdelay $0x1  }
0x1b2: {  	s15 =	sor.u32 s16, s15;
	v8 =	vadd.f32 v9, v8  }
0x1b3: {  	s15 =	sor.u32 $0x380, s15  }
0x1b4: {  	s16 =	simm.s32 $0x0;
	[tilespmem:s15+$0x7C00] =	vst v8  }
0x1b5: {  	s17 =	sand.u32 $0x70, s16;
	s15 =	sand.u32 $0xC00, s16;
	v8 =	vld.idx.msk [tilespmem:v11+s1+$0x0], $0xffff  }
0x1b6: {  	v10 =	vld.idx.msk [tilespmem:v11+s0+$0x0], $0xffff;
	s15 =	sor.u32 s17, s15  }
0x1b7: {  	v12 =	vld [tilespmem:s15+$0x4C00]  }
0x1b8: {  	v13 =	vld [tilespmem:s15+$0x4C80]  }
0x1b9: {  	v14 =	vld [tilespmem:s15+$0x4D00]  }
0x1ba: {  	s18 =	simm.s32 $0x10;
	s19 =	simm.s32 $0x80;
	v15 =	vld [tilespmem:s15+$0x4D80]  }
0x1bb: {  	s16 =	sand.u32 $0x70, s18;
	v9 =	vld.idx.msk [tilespmem:v11+s11+$0x0], $0xffff;
	s17 =	sand.u32 $0xC00, s19  }
0x1bc: {  	v11 =	vld.idx.msk [tilespmem:v11+s6+$0x0], $0xffff;
	s16 =	sor.u32 s16, s17  }
0x1bd: {  	v16 =	vld [tilespmem:s16+$0x4C00]  }
0x1be: {  	v18 =	vld [tilespmem:s16+$0x4C80];
	v12 =	vmul.f32 v12, v8;
	v13 =	vmul.f32 v13, v10  }
0x1bf: {  	s20 =	simm.s32 $0x20;
	s21 =	simm.s32 $0x100;
	v20 =	vld [tilespmem:s16+$0x4D00];
	v14 =	vmul.f32 v14, v8;
	v15 =	vmul.f32 v15, v10  }
0x1c0: {  	s18 =	sand.u32 $0xC00, s21;
	s17 =	sand.u32 $0x70, s20;
	v21 =	vld [tilespmem:s16+$0x4D80]  }
0x1c1: {  	s17 =	sor.u32 s17, s18;
	v12 =	vadd.f32 v13, v12;
	v14 =	vadd.f32 v15, v14  }
0x1c2: {  	v13 =	vld [tilespmem:s17+$0x4C00]  }
0x1c3: {  	v15 =	vmul.f32 v12, v9;
	v22 =	vmul.f32 v14, v11;
	v12 =	vld [tilespmem:s17+$0x4C80]  }
0x1c4: {  	v17 =	vmul.f32 v16, v8;
	v19 =	vmul.f32 v18, v10;
	v14 =	vld [tilespmem:s17+$0x4D00]  }
0x1c5: {  	s19 =	simm.s32 $0x180;
	s18 =	simm.s32 $0x30;
	v18 =	vmul.f32 v20, v8;
	v20 =	vmul.f32 v21, v10;
	v16 =	vadd.f32 v22, v15;
	v15 =	vld [tilespmem:s17+$0x4D80]  }
.LBB2_21:
0x1c6: {  	s20 =	sand.u32 $0x70, s18  }
0x1c7: {  	s21 =	sand.u32 $0xC00, s19;
	v17 =	vadd.f32 v19, v17;
	v18 =	vadd.f32 v20, v18;
	[tilespmem:s15+$0x8800] =	vst v16;
	s15 =	smov.u32 s16;
	p0 =	sne.s32 s18, $0x170  }
.Ltmp9:
0x1c8: {  	s16 =	smov.u32 s17;
	v16 =	vmov v13;
	s17 =	sor.u32 s20, s21;
	(pc) =	sbr.rel @p0 .LBB2_21-.Ltmp9, $4  }
0x1c9: {  	v13 =	vld [tilespmem:s17+$0x4C00];
	v21 =	vmul.f32 v17, v9;
	v22 =	vmul.f32 v18, v11  }
0x1ca: {  	s18 =	sadd.s32 $0x10, s18;
	v17 =	vmul.f32 v16, v8;
	v19 =	vmul.f32 v12, v10;
	v12 =	vld [tilespmem:s17+$0x4C80]  }
0x1cb: {  	v18 =	vmul.f32 v14, v8;
	v14 =	vld [tilespmem:s17+$0x4D00];
	v20 =	vmul.f32 v15, v10;
	v16 =	vadd.f32 v22, v21  }
0x1cc: {  	s19 =	sadd.s32 $0x80, s19;
	v15 =	vld [tilespmem:s17+$0x4D80]  }
0x1cd: {  	_ =	sdelay $0x2  }
0x1ce: {  	v17 =	vadd.f32 v19, v17;
	v13 =	vmul.f32 v13, v8;
	v12 =	vmul.f32 v12, v10  }
0x1cf: {  	s18 =	sor.u32 $0x9, s14;
	v8 =	vmul.f32 v14, v8;
	v10 =	vmul.f32 v15, v10  }
0x1d0: {  	v14 =	vadd.f32 v20, v18;
	v15 =	vmul.f32 v17, v9;
	v17 =	vmov s18  }
0x1d1: {  	v12 =	vadd.f32 v12, v13;
	v8 =	vadd.f32 v10, v8;
	v10 =	vand.u32 $0xFFFFFFF9, v17  }
0x1d2: {  	v13 =	vmul.f32 v14, v11;
	v14 =	vbroadcast v10, $0x0  }
0x1d3: {  	v9 =	vmul.f32 v12, v9;
	v8 =	vmul.f32 v8, v11  }
0x1d4: {  	v10 =	vadd.f32 v13, v15  }
0x1d5: {  	[tilespmem:s15+$0x8800] =	vst v16;
	v8 =	vadd.f32 v8, v9  }
0x1d6: {  	[tilespmem:s16+$0x8800] =	vst v10  }
0x1d7: {  	s16 =	simm.s32 $0x0;
	[tilespmem:s17+$0x8800] =	vst v8  }
0x1d8: {  	s15 =	sand.u32 $0xC00, s16;
	s17 =	sand.u32 $0x70, s16;
	v8 =	vld.idx.msk [tilespmem:v14+s1+$0x0], $0xffff  }
0x1d9: {  	v10 =	vld.idx.msk [tilespmem:v14+s0+$0x0], $0xffff;
	s15 =	sor.u32 s17, s15  }
0x1da: {  	v12 =	vld [tilespmem:s15+$0x4E00]  }
0x1db: {  	v13 =	vld [tilespmem:s15+$0x4E80]  }
0x1dc: {  	v15 =	vld [tilespmem:s15+$0x4F00]  }
0x1dd: {  	s19 =	simm.s32 $0x80;
	s18 =	simm.s32 $0x10;
	v16 =	vld [tilespmem:s15+$0x4F80]  }
0x1de: {  	s16 =	sand.u32 $0x70, s18;
	v9 =	vld.idx.msk [tilespmem:v14+s11+$0x0], $0xffff;
	s17 =	sand.u32 $0xC00, s19  }
0x1df: {  	v11 =	vld.idx.msk [tilespmem:v14+s6+$0x0], $0xffff;
	s16 =	sor.u32 s16, s17  }
0x1e0: {  	v14 =	vld [tilespmem:s16+$0x4E00]  }
0x1e1: {  	v18 =	vld [tilespmem:s16+$0x4E80];
	v12 =	vmul.f32 v12, v8;
	v13 =	vmul.f32 v13, v10  }
0x1e2: {  	s20 =	simm.s32 $0x20;
	s21 =	simm.s32 $0x100;
	v20 =	vld [tilespmem:s16+$0x4F00];
	v15 =	vmul.f32 v15, v8;
	v16 =	vmul.f32 v16, v10  }
0x1e3: {  	s18 =	sand.u32 $0xC00, s21;
	s17 =	sand.u32 $0x70, s20;
	v21 =	vld [tilespmem:s16+$0x4F80]  }
0x1e4: {  	s17 =	sor.u32 s17, s18;
	v12 =	vadd.f32 v13, v12;
	v15 =	vadd.f32 v16, v15  }
0x1e5: {  	v17 =	vmul.f32 v14, v8;
	v14 =	vld [tilespmem:s17+$0x4F00]  }
0x1e6: {  	v13 =	vld [tilespmem:s17+$0x4E00];
	v16 =	vmul.f32 v12, v9;
	v15 =	vmul.f32 v15, v11  }
0x1e7: {  	v19 =	vmul.f32 v18, v10;
	v12 =	vld [tilespmem:s17+$0x4E80]  }
0x1e8: {  	s19 =	simm.s32 $0x180;
	s18 =	simm.s32 $0x30;
	v18 =	vmul.f32 v20, v8;
	v20 =	vmul.f32 v21, v10;
	v16 =	vadd.f32 v15, v16;
	v15 =	vld [tilespmem:s17+$0x4F80]  }
.LBB2_23:
0x1e9: {  	s20 =	sand.u32 $0x70, s18  }
0x1ea: {  	s21 =	sand.u32 $0xC00, s19;
	v17 =	vadd.f32 v19, v17;
	v18 =	vadd.f32 v20, v18;
	[tilespmem:s15+$0x8880] =	vst v16;
	s15 =	smov.u32 s16;
	p0 =	sne.s32 s18, $0x170  }
.Ltmp10:
0x1eb: {  	s16 =	smov.u32 s17;
	v16 =	vmov v13;
	s17 =	sor.u32 s20, s21;
	(pc) =	sbr.rel @p0 .LBB2_23-.Ltmp10, $4  }
0x1ec: {  	v13 =	vld [tilespmem:s17+$0x4E00];
	v21 =	vmul.f32 v17, v9;
	v22 =	vmul.f32 v18, v11  }
0x1ed: {  	s18 =	sadd.s32 $0x10, s18;
	v17 =	vmul.f32 v16, v8;
	v19 =	vmul.f32 v12, v10;
	v12 =	vld [tilespmem:s17+$0x4E80]  }
0x1ee: {  	v18 =	vmul.f32 v14, v8;
	v14 =	vld [tilespmem:s17+$0x4F00];
	v20 =	vmul.f32 v15, v10;
	v16 =	vadd.f32 v22, v21  }
0x1ef: {  	s19 =	sadd.s32 $0x80, s19;
	v15 =	vld [tilespmem:s17+$0x4F80]  }
0x1f0: {  	_ =	sdelay $0x2  }
0x1f1: {  	v17 =	vadd.f32 v19, v17;
	v13 =	vmul.f32 v13, v8;
	v12 =	vmul.f32 v12, v10  }
0x1f2: {  	s18 =	sor.u32 $0xA, s14;
	v8 =	vmul.f32 v14, v8;
	v10 =	vmul.f32 v15, v10  }
0x1f3: {  	v14 =	vadd.f32 v20, v18;
	v15 =	vmul.f32 v17, v9;
	v17 =	vmov s18  }
0x1f4: {  	v12 =	vadd.f32 v12, v13;
	v8 =	vadd.f32 v10, v8;
	v10 =	vand.u32 $0xFFFFFFFA, v17  }
0x1f5: {  	v13 =	vmul.f32 v14, v11;
	v14 =	vbroadcast v10, $0x0  }
0x1f6: {  	v9 =	vmul.f32 v12, v9;
	v8 =	vmul.f32 v8, v11  }
0x1f7: {  	v10 =	vadd.f32 v13, v15  }
0x1f8: {  	[tilespmem:s15+$0x8880] =	vst v16;
	v8 =	vadd.f32 v8, v9  }
0x1f9: {  	[tilespmem:s16+$0x8880] =	vst v10  }
0x1fa: {  	s16 =	simm.s32 $0x0;
	[tilespmem:s17+$0x8880] =	vst v8  }
0x1fb: {  	s15 =	sand.u32 $0xC00, s16;
	s17 =	sand.u32 $0x70, s16;
	v8 =	vld.idx.msk [tilespmem:v14+s1+$0x0], $0xffff  }
0x1fc: {  	v10 =	vld.idx.msk [tilespmem:v14+s0+$0x0], $0xffff;
	s15 =	sor.u32 s17, s15  }
0x1fd: {  	v12 =	vld [tilespmem:s15+$0x5800]  }
0x1fe: {  	v13 =	vld [tilespmem:s15+$0x5880]  }
0x1ff: {  	v15 =	vld [tilespmem:s15+$0x5900]  }
0x200: {  	s19 =	simm.s32 $0x80;
	s18 =	simm.s32 $0x10;
	v16 =	vld [tilespmem:s15+$0x5980]  }
0x201: {  	s16 =	sand.u32 $0x70, s18;
	v9 =	vld.idx.msk [tilespmem:v14+s11+$0x0], $0xffff;
	s17 =	sand.u32 $0xC00, s19  }
0x202: {  	v11 =	vld.idx.msk [tilespmem:v14+s6+$0x0], $0xffff;
	s16 =	sor.u32 s16, s17  }
0x203: {  	v14 =	vld [tilespmem:s16+$0x5800]  }
0x204: {  	v18 =	vld [tilespmem:s16+$0x5880];
	v12 =	vmul.f32 v12, v8;
	v13 =	vmul.f32 v13, v10  }
0x205: {  	s20 =	simm.s32 $0x20;
	s21 =	simm.s32 $0x100;
	v20 =	vld [tilespmem:s16+$0x5900];
	v15 =	vmul.f32 v15, v8;
	v16 =	vmul.f32 v16, v10  }
0x206: {  	s18 =	sand.u32 $0xC00, s21;
	s17 =	sand.u32 $0x70, s20;
	v21 =	vld [tilespmem:s16+$0x5980]  }
0x207: {  	s17 =	sor.u32 s17, s18;
	v12 =	vadd.f32 v13, v12;
	v15 =	vadd.f32 v16, v15  }
0x208: {  	v17 =	vmul.f32 v14, v8;
	v14 =	vld [tilespmem:s17+$0x5900]  }
0x209: {  	v13 =	vld [tilespmem:s17+$0x5800];
	v16 =	vmul.f32 v12, v9;
	v15 =	vmul.f32 v15, v11  }
0x20a: {  	v19 =	vmul.f32 v18, v10;
	v12 =	vld [tilespmem:s17+$0x5880]  }
0x20b: {  	s19 =	simm.s32 $0x180;
	s18 =	simm.s32 $0x30;
	v18 =	vmul.f32 v20, v8;
	v20 =	vmul.f32 v21, v10;
	v16 =	vadd.f32 v15, v16;
	v15 =	vld [tilespmem:s17+$0x5980]  }
.LBB2_25:
0x20c: {  	s20 =	sand.u32 $0x70, s18  }
0x20d: {  	s21 =	sand.u32 $0xC00, s19;
	v17 =	vadd.f32 v19, v17;
	v18 =	vadd.f32 v20, v18;
	[tilespmem:s15+$0x8900] =	vst v16;
	s15 =	smov.u32 s16;
	p0 =	sne.s32 s18, $0x170  }
.Ltmp11:
0x20e: {  	s16 =	smov.u32 s17;
	v16 =	vmov v13;
	s17 =	sor.u32 s20, s21;
	(pc) =	sbr.rel @p0 .LBB2_25-.Ltmp11, $4  }
0x20f: {  	v13 =	vld [tilespmem:s17+$0x5800];
	v21 =	vmul.f32 v17, v9;
	v22 =	vmul.f32 v18, v11  }
0x210: {  	s18 =	sadd.s32 $0x10, s18;
	v17 =	vmul.f32 v16, v8;
	v19 =	vmul.f32 v12, v10;
	v12 =	vld [tilespmem:s17+$0x5880]  }
0x211: {  	v18 =	vmul.f32 v14, v8;
	v14 =	vld [tilespmem:s17+$0x5900];
	v20 =	vmul.f32 v15, v10;
	v16 =	vadd.f32 v22, v21  }
0x212: {  	s19 =	sadd.s32 $0x80, s19;
	v15 =	vld [tilespmem:s17+$0x5980]  }
0x213: {  	_ =	sdelay $0x2  }
0x214: {  	v17 =	vadd.f32 v19, v17;
	v13 =	vmul.f32 v13, v8;
	v12 =	vmul.f32 v12, v10  }
0x215: {  	s18 =	sor.u32 $0xB, s14;
	v8 =	vmul.f32 v14, v8;
	v10 =	vmul.f32 v15, v10  }
0x216: {  	v14 =	vadd.f32 v20, v18;
	v15 =	vmul.f32 v17, v9;
	v17 =	vmov s18  }
0x217: {  	v12 =	vadd.f32 v12, v13;
	v8 =	vadd.f32 v10, v8;
	v10 =	vand.u32 $0xFFFFFFFB, v17  }
0x218: {  	v13 =	vmul.f32 v14, v11;
	v14 =	vbroadcast v10, $0x0  }
0x219: {  	v9 =	vmul.f32 v12, v9;
	v8 =	vmul.f32 v8, v11  }
0x21a: {  	v10 =	vadd.f32 v13, v15  }
0x21b: {  	[tilespmem:s15+$0x8900] =	vst v16;
	v8 =	vadd.f32 v8, v9  }
0x21c: {  	[tilespmem:s16+$0x8900] =	vst v10  }
0x21d: {  	s16 =	simm.s32 $0x0;
	[tilespmem:s17+$0x8900] =	vst v8  }
0x21e: {  	s15 =	sand.u32 $0xC00, s16;
	s17 =	sand.u32 $0x70, s16;
	v8 =	vld.idx.msk [tilespmem:v14+s1+$0x0], $0xffff  }
0x21f: {  	v10 =	vld.idx.msk [tilespmem:v14+s0+$0x0], $0xffff;
	s15 =	sor.u32 s17, s15  }
0x220: {  	v12 =	vld [tilespmem:s15+$0x5A00]  }
0x221: {  	v13 =	vld [tilespmem:s15+$0x5A80]  }
0x222: {  	v15 =	vld [tilespmem:s15+$0x5B00]  }
0x223: {  	s19 =	simm.s32 $0x80;
	s18 =	simm.s32 $0x10;
	v16 =	vld [tilespmem:s15+$0x5B80]  }
0x224: {  	s16 =	sand.u32 $0x70, s18;
	v9 =	vld.idx.msk [tilespmem:v14+s11+$0x0], $0xffff;
	s17 =	sand.u32 $0xC00, s19  }
0x225: {  	v11 =	vld.idx.msk [tilespmem:v14+s6+$0x0], $0xffff;
	s16 =	sor.u32 s16, s17  }
0x226: {  	v14 =	vld [tilespmem:s16+$0x5A00]  }
0x227: {  	v18 =	vld [tilespmem:s16+$0x5A80];
	v12 =	vmul.f32 v12, v8;
	v13 =	vmul.f32 v13, v10  }
0x228: {  	s20 =	simm.s32 $0x20;
	s21 =	simm.s32 $0x100;
	v20 =	vld [tilespmem:s16+$0x5B00];
	v15 =	vmul.f32 v15, v8;
	v16 =	vmul.f32 v16, v10  }
0x229: {  	s18 =	sand.u32 $0xC00, s21;
	s17 =	sand.u32 $0x70, s20;
	v21 =	vld [tilespmem:s16+$0x5B80]  }
0x22a: {  	s17 =	sor.u32 s17, s18;
	v12 =	vadd.f32 v13, v12;
	v15 =	vadd.f32 v16, v15  }
0x22b: {  	v17 =	vmul.f32 v14, v8;
	v14 =	vld [tilespmem:s17+$0x5B00]  }
0x22c: {  	v13 =	vld [tilespmem:s17+$0x5A00];
	v16 =	vmul.f32 v12, v9;
	v15 =	vmul.f32 v15, v11  }
0x22d: {  	v19 =	vmul.f32 v18, v10;
	v12 =	vld [tilespmem:s17+$0x5A80]  }
0x22e: {  	s19 =	simm.s32 $0x180;
	s18 =	simm.s32 $0x30;
	v18 =	vmul.f32 v20, v8;
	v20 =	vmul.f32 v21, v10;
	v16 =	vadd.f32 v15, v16;
	v15 =	vld [tilespmem:s17+$0x5B80]  }
.LBB2_27:
0x22f: {  	s20 =	sand.u32 $0x70, s18  }
0x230: {  	s21 =	sand.u32 $0xC00, s19;
	v17 =	vadd.f32 v19, v17;
	v18 =	vadd.f32 v20, v18;
	[tilespmem:s15+$0x8980] =	vst v16;
	s15 =	smov.u32 s16;
	p0 =	sne.s32 s18, $0x170  }
.Ltmp12:
0x231: {  	s16 =	smov.u32 s17;
	v16 =	vmov v13;
	s17 =	sor.u32 s20, s21;
	(pc) =	sbr.rel @p0 .LBB2_27-.Ltmp12, $4  }
0x232: {  	v13 =	vld [tilespmem:s17+$0x5A00];
	v21 =	vmul.f32 v17, v9;
	v22 =	vmul.f32 v18, v11  }
0x233: {  	s18 =	sadd.s32 $0x10, s18;
	v17 =	vmul.f32 v16, v8;
	v19 =	vmul.f32 v12, v10;
	v12 =	vld [tilespmem:s17+$0x5A80]  }
0x234: {  	v18 =	vmul.f32 v14, v8;
	v14 =	vld [tilespmem:s17+$0x5B00];
	v20 =	vmul.f32 v15, v10;
	v16 =	vadd.f32 v22, v21  }
0x235: {  	s19 =	sadd.s32 $0x80, s19;
	v15 =	vld [tilespmem:s17+$0x5B80]  }
0x236: {  	_ =	sdelay $0x2  }
0x237: {  	v17 =	vadd.f32 v19, v17;
	v13 =	vmul.f32 v13, v8;
	v12 =	vmul.f32 v12, v10  }
0x238: {  	s18 =	sor.u32 $0xC, s14;
	v8 =	vmul.f32 v14, v8;
	v10 =	vmul.f32 v15, v10  }
0x239: {  	v14 =	vadd.f32 v20, v18;
	v15 =	vmul.f32 v17, v9;
	v17 =	vmov s18  }
0x23a: {  	v12 =	vadd.f32 v12, v13;
	v8 =	vadd.f32 v10, v8;
	v10 =	vand.u32 $0xFFFFFFFC, v17  }
0x23b: {  	v13 =	vmul.f32 v14, v11;
	v14 =	vbroadcast v10, $0x0  }
0x23c: {  	v9 =	vmul.f32 v12, v9;
	v8 =	vmul.f32 v8, v11  }
0x23d: {  	v10 =	vadd.f32 v13, v15  }
0x23e: {  	[tilespmem:s15+$0x8980] =	vst v16;
	v8 =	vadd.f32 v8, v9  }
0x23f: {  	[tilespmem:s16+$0x8980] =	vst v10  }
0x240: {  	s16 =	simm.s32 $0x0;
	[tilespmem:s17+$0x8980] =	vst v8  }
0x241: {  	s15 =	sand.u32 $0xC00, s16;
	s17 =	sand.u32 $0x70, s16;
	v8 =	vld.idx.msk [tilespmem:v14+s1+$0x0], $0xffff  }
0x242: {  	v10 =	vld.idx.msk [tilespmem:v14+s0+$0x0], $0xffff;
	s15 =	sor.u32 s17, s15  }
0x243: {  	v12 =	vld [tilespmem:s15+$0x6400]  }
0x244: {  	v13 =	vld [tilespmem:s15+$0x6480]  }
0x245: {  	v15 =	vld [tilespmem:s15+$0x6500]  }
0x246: {  	s19 =	simm.s32 $0x80;
	s18 =	simm.s32 $0x10;
	v16 =	vld [tilespmem:s15+$0x6580]  }
0x247: {  	s16 =	sand.u32 $0x70, s18;
	v9 =	vld.idx.msk [tilespmem:v14+s11+$0x0], $0xffff;
	s17 =	sand.u32 $0xC00, s19  }
0x248: {  	v11 =	vld.idx.msk [tilespmem:v14+s6+$0x0], $0xffff;
	s16 =	sor.u32 s16, s17  }
0x249: {  	v14 =	vld [tilespmem:s16+$0x6400]  }
0x24a: {  	v18 =	vld [tilespmem:s16+$0x6480];
	v12 =	vmul.f32 v12, v8;
	v13 =	vmul.f32 v13, v10  }
0x24b: {  	s20 =	simm.s32 $0x20;
	s21 =	simm.s32 $0x100;
	v20 =	vld [tilespmem:s16+$0x6500];
	v15 =	vmul.f32 v15, v8;
	v16 =	vmul.f32 v16, v10  }
0x24c: {  	s18 =	sand.u32 $0xC00, s21;
	s17 =	sand.u32 $0x70, s20;
	v21 =	vld [tilespmem:s16+$0x6580]  }
0x24d: {  	s17 =	sor.u32 s17, s18;
	v12 =	vadd.f32 v13, v12;
	v15 =	vadd.f32 v16, v15  }
0x24e: {  	v17 =	vmul.f32 v14, v8;
	v14 =	vld [tilespmem:s17+$0x6500]  }
0x24f: {  	v13 =	vld [tilespmem:s17+$0x6400];
	v16 =	vmul.f32 v12, v9;
	v15 =	vmul.f32 v15, v11  }
0x250: {  	v19 =	vmul.f32 v18, v10;
	v12 =	vld [tilespmem:s17+$0x6480]  }
0x251: {  	s19 =	simm.s32 $0x180;
	s18 =	simm.s32 $0x30;
	v18 =	vmul.f32 v20, v8;
	v20 =	vmul.f32 v21, v10;
	v16 =	vadd.f32 v15, v16;
	v15 =	vld [tilespmem:s17+$0x6580]  }
.LBB2_29:
0x252: {  	s20 =	sand.u32 $0x70, s18  }
0x253: {  	s21 =	sand.u32 $0xC00, s19;
	v17 =	vadd.f32 v19, v17;
	v18 =	vadd.f32 v20, v18;
	[tilespmem:s15+$0x8A00] =	vst v16;
	s15 =	smov.u32 s16;
	p0 =	sne.s32 s18, $0x170  }
.Ltmp13:
0x254: {  	s16 =	smov.u32 s17;
	v16 =	vmov v13;
	s17 =	sor.u32 s20, s21;
	(pc) =	sbr.rel @p0 .LBB2_29-.Ltmp13, $4  }
0x255: {  	v13 =	vld [tilespmem:s17+$0x6400];
	v21 =	vmul.f32 v17, v9;
	v22 =	vmul.f32 v18, v11  }
0x256: {  	s18 =	sadd.s32 $0x10, s18;
	v17 =	vmul.f32 v16, v8;
	v19 =	vmul.f32 v12, v10;
	v12 =	vld [tilespmem:s17+$0x6480]  }
0x257: {  	v18 =	vmul.f32 v14, v8;
	v14 =	vld [tilespmem:s17+$0x6500];
	v20 =	vmul.f32 v15, v10;
	v16 =	vadd.f32 v22, v21  }
0x258: {  	s19 =	sadd.s32 $0x80, s19;
	v15 =	vld [tilespmem:s17+$0x6580]  }
0x259: {  	_ =	sdelay $0x2  }
0x25a: {  	v17 =	vadd.f32 v19, v17;
	v13 =	vmul.f32 v13, v8;
	v12 =	vmul.f32 v12, v10  }
0x25b: {  	s18 =	sor.u32 $0xD, s14;
	v8 =	vmul.f32 v14, v8;
	v10 =	vmul.f32 v15, v10  }
0x25c: {  	v14 =	vadd.f32 v20, v18;
	v15 =	vmul.f32 v17, v9;
	v17 =	vmov s18  }
0x25d: {  	v12 =	vadd.f32 v12, v13;
	v8 =	vadd.f32 v10, v8;
	v10 =	vand.u32 $0xFFFFFFFD, v17  }
0x25e: {  	v13 =	vmul.f32 v14, v11;
	v14 =	vbroadcast v10, $0x0  }
0x25f: {  	v9 =	vmul.f32 v12, v9;
	v8 =	vmul.f32 v8, v11  }
0x260: {  	v10 =	vadd.f32 v13, v15  }
0x261: {  	[tilespmem:s15+$0x8A00] =	vst v16;
	v8 =	vadd.f32 v8, v9  }
0x262: {  	[tilespmem:s16+$0x8A00] =	vst v10  }
0x263: {  	s16 =	simm.s32 $0x0;
	[tilespmem:s17+$0x8A00] =	vst v8  }
0x264: {  	s15 =	sand.u32 $0xC00, s16;
	s17 =	sand.u32 $0x70, s16;
	v8 =	vld.idx.msk [tilespmem:v14+s1+$0x0], $0xffff  }
0x265: {  	v10 =	vld.idx.msk [tilespmem:v14+s0+$0x0], $0xffff;
	s15 =	sor.u32 s17, s15  }
0x266: {  	v12 =	vld [tilespmem:s15+$0x6600]  }
0x267: {  	v13 =	vld [tilespmem:s15+$0x6680]  }
0x268: {  	v15 =	vld [tilespmem:s15+$0x6700]  }
0x269: {  	s19 =	simm.s32 $0x80;
	s18 =	simm.s32 $0x10;
	v16 =	vld [tilespmem:s15+$0x6780]  }
0x26a: {  	s16 =	sand.u32 $0x70, s18;
	v9 =	vld.idx.msk [tilespmem:v14+s11+$0x0], $0xffff;
	s17 =	sand.u32 $0xC00, s19  }
0x26b: {  	v11 =	vld.idx.msk [tilespmem:v14+s6+$0x0], $0xffff;
	s16 =	sor.u32 s16, s17  }
0x26c: {  	v14 =	vld [tilespmem:s16+$0x6600]  }
0x26d: {  	v18 =	vld [tilespmem:s16+$0x6680];
	v12 =	vmul.f32 v12, v8;
	v13 =	vmul.f32 v13, v10  }
0x26e: {  	s20 =	simm.s32 $0x20;
	s21 =	simm.s32 $0x100;
	v20 =	vld [tilespmem:s16+$0x6700];
	v15 =	vmul.f32 v15, v8;
	v16 =	vmul.f32 v16, v10  }
0x26f: {  	s18 =	sand.u32 $0xC00, s21;
	s17 =	sand.u32 $0x70, s20;
	v21 =	vld [tilespmem:s16+$0x6780]  }
0x270: {  	s17 =	sor.u32 s17, s18;
	v12 =	vadd.f32 v13, v12;
	v15 =	vadd.f32 v16, v15  }
0x271: {  	v17 =	vmul.f32 v14, v8;
	v14 =	vld [tilespmem:s17+$0x6700]  }
0x272: {  	v13 =	vld [tilespmem:s17+$0x6600];
	v16 =	vmul.f32 v12, v9;
	v15 =	vmul.f32 v15, v11  }
0x273: {  	v19 =	vmul.f32 v18, v10;
	v12 =	vld [tilespmem:s17+$0x6680]  }
0x274: {  	s19 =	simm.s32 $0x180;
	s18 =	simm.s32 $0x30;
	v18 =	vmul.f32 v20, v8;
	v20 =	vmul.f32 v21, v10;
	v16 =	vadd.f32 v15, v16;
	v15 =	vld [tilespmem:s17+$0x6780]  }
.LBB2_31:
0x275: {  	s20 =	sand.u32 $0x70, s18  }
0x276: {  	s21 =	sand.u32 $0xC00, s19;
	v17 =	vadd.f32 v19, v17;
	v18 =	vadd.f32 v20, v18;
	[tilespmem:s15+$0x8A80] =	vst v16;
	s15 =	smov.u32 s16;
	p0 =	sne.s32 s18, $0x170  }
.Ltmp14:
0x277: {  	s16 =	smov.u32 s17;
	v16 =	vmov v13;
	s17 =	sor.u32 s20, s21;
	(pc) =	sbr.rel @p0 .LBB2_31-.Ltmp14, $4  }
0x278: {  	v13 =	vld [tilespmem:s17+$0x6600];
	v21 =	vmul.f32 v17, v9;
	v22 =	vmul.f32 v18, v11  }
0x279: {  	s18 =	sadd.s32 $0x10, s18;
	v17 =	vmul.f32 v16, v8;
	v19 =	vmul.f32 v12, v10;
	v12 =	vld [tilespmem:s17+$0x6680]  }
0x27a: {  	v18 =	vmul.f32 v14, v8;
	v14 =	vld [tilespmem:s17+$0x6700];
	v20 =	vmul.f32 v15, v10;
	v16 =	vadd.f32 v22, v21  }
0x27b: {  	s19 =	sadd.s32 $0x80, s19;
	v15 =	vld [tilespmem:s17+$0x6780]  }
0x27c: {  	_ =	sdelay $0x2  }
0x27d: {  	v17 =	vadd.f32 v19, v17;
	v13 =	vmul.f32 v13, v8;
	v12 =	vmul.f32 v12, v10  }
0x27e: {  	s18 =	sor.u32 $0xE, s14;
	v8 =	vmul.f32 v14, v8;
	v10 =	vmul.f32 v15, v10  }
0x27f: {  	v14 =	vadd.f32 v20, v18;
	v15 =	vmul.f32 v17, v9;
	v17 =	vmov s18  }
0x280: {  	v12 =	vadd.f32 v12, v13;
	v8 =	vadd.f32 v10, v8;
	v10 =	vand.u32 $0xFFFFFFFE, v17  }
0x281: {  	v13 =	vmul.f32 v14, v11;
	v14 =	vbroadcast v10, $0x0  }
0x282: {  	v9 =	vmul.f32 v12, v9;
	v8 =	vmul.f32 v8, v11  }
0x283: {  	v10 =	vadd.f32 v13, v15  }
0x284: {  	[tilespmem:s15+$0x8A80] =	vst v16;
	v8 =	vadd.f32 v8, v9  }
0x285: {  	[tilespmem:s16+$0x8A80] =	vst v10  }
0x286: {  	s16 =	simm.s32 $0x0;
	[tilespmem:s17+$0x8A80] =	vst v8  }
0x287: {  	s15 =	sand.u32 $0xC00, s16;
	s17 =	sand.u32 $0x70, s16;
	v8 =	vld.idx.msk [tilespmem:v14+s1+$0x0], $0xffff  }
0x288: {  	v9 =	vld.idx.msk [tilespmem:v14+s0+$0x0], $0xffff;
	s15 =	sor.u32 s17, s15  }
0x289: {  	v12 =	vld [tilespmem:s15+$0x7000]  }
0x28a: {  	v13 =	vld [tilespmem:s15+$0x7080]  }
0x28b: {  	v15 =	vld [tilespmem:s15+$0x7100]  }
0x28c: {  	s19 =	simm.s32 $0x80;
	s18 =	simm.s32 $0x10;
	v16 =	vld [tilespmem:s15+$0x7180]  }
0x28d: {  	s16 =	sand.u32 $0x70, s18;
	v10 =	vld.idx.msk [tilespmem:v14+s11+$0x0], $0xffff;
	s17 =	sand.u32 $0xC00, s19  }
0x28e: {  	v11 =	vld.idx.msk [tilespmem:v14+s6+$0x0], $0xffff;
	s16 =	sor.u32 s16, s17  }
0x28f: {  	v14 =	vld [tilespmem:s16+$0x7000]  }
0x290: {  	v17 =	vld [tilespmem:s16+$0x7080];
	v12 =	vmul.f32 v12, v8;
	v13 =	vmul.f32 v13, v9  }
0x291: {  	s20 =	simm.s32 $0x20;
	s21 =	simm.s32 $0x100;
	v19 =	vld [tilespmem:s16+$0x7100];
	v15 =	vmul.f32 v15, v8;
	v16 =	vmul.f32 v16, v9  }
0x292: {  	s18 =	sand.u32 $0xC00, s21;
	s17 =	sand.u32 $0x70, s20;
	v20 =	vld [tilespmem:s16+$0x7180]  }
0x293: {  	s17 =	sor.u32 s17, s18;
	v12 =	vadd.f32 v13, v12;
	v15 =	vadd.f32 v16, v15  }
0x294: {  	v13 =	vld [tilespmem:s17+$0x7000];
	v16 =	vmul.f32 v14, v8  }
0x295: {  	v14 =	vld [tilespmem:s17+$0x7100];
	v21 =	vmul.f32 v12, v10;
	v15 =	vmul.f32 v15, v11  }
0x296: {  	v18 =	vmul.f32 v17, v9;
	v12 =	vld [tilespmem:s17+$0x7080]  }
0x297: {  	s19 =	simm.s32 $0x180;
	s18 =	simm.s32 $0x30;
	v19 =	vmul.f32 v19, v8;
	v20 =	vmul.f32 v20, v9;
	v17 =	vadd.f32 v15, v21;
	v15 =	vld [tilespmem:s17+$0x7180]  }
.LBB2_33:
0x298: {  	s20 =	sand.u32 $0x70, s18  }
0x299: {  	s21 =	sand.u32 $0xC00, s19;
	v16 =	vadd.f32 v18, v16;
	v18 =	vadd.f32 v20, v19;
	[tilespmem:s15+$0x8B00] =	vst v17;
	s15 =	smov.u32 s16;
	p0 =	sne.s32 s18, $0x170  }
.Ltmp15:
0x29a: {  	s16 =	smov.u32 s17;
	v17 =	vmov v13;
	s17 =	sor.u32 s20, s21;
	(pc) =	sbr.rel @p0 .LBB2_33-.Ltmp15, $4  }
0x29b: {  	v13 =	vld [tilespmem:s17+$0x7000];
	v21 =	vmul.f32 v16, v10;
	v22 =	vmul.f32 v18, v11  }
0x29c: {  	s18 =	sadd.s32 $0x10, s18;
	v16 =	vmul.f32 v17, v8;
	v18 =	vmul.f32 v12, v9;
	v12 =	vld [tilespmem:s17+$0x7080]  }
0x29d: {  	v19 =	vmul.f32 v14, v8;
	v14 =	vld [tilespmem:s17+$0x7100];
	v20 =	vmul.f32 v15, v9;
	v17 =	vadd.f32 v22, v21  }
0x29e: {  	s19 =	sadd.s32 $0x80, s19;
	v15 =	vld [tilespmem:s17+$0x7180]  }
0x29f: {  	_ =	sdelay $0x2  }
0x2a0: {  	v13 =	vmul.f32 v13, v8;
	v12 =	vmul.f32 v12, v9  }
0x2a1: {  	v8 =	vmul.f32 v14, v8;
	v9 =	vmul.f32 v15, v9  }
0x2a2: {  	v14 =	vadd.f32 v18, v16;
	v15 =	vadd.f32 v20, v19  }
0x2a3: {  	v12 =	vadd.f32 v12, v13;
	v8 =	vadd.f32 v9, v8  }
0x2a4: {  	s18 =	sor.u32 $0xF, s14;
	v9 =	vmul.f32 v14, v10;
	v13 =	vmul.f32 v15, v11  }
0x2a5: {  	v10 =	vmul.f32 v12, v10;
	v8 =	vmul.f32 v8, v11;
	v11 =	vmov s18  }
0x2a6: {  	v9 =	vadd.f32 v13, v9  }
0x2a7: {  	[tilespmem:s15+$0x8B00] =	vst v17;
	v8 =	vadd.f32 v8, v10  }
0x2a8: {  	[tilespmem:s16+$0x8B00] =	vst v9  }
0x2a9: {  	s16 =	simm.s32 $0x0;
	[tilespmem:s17+$0x8B00] =	vst v8  }
0x2aa: {  	s15 =	sand.u32 $0xC00, s16;
	s17 =	sand.u32 $0x70, s16;
	v8 =	vld.idx.msk [tilespmem:v11+s1+$0x0], $0xffff  }
0x2ab: {  	v10 =	vld.idx.msk [tilespmem:v11+s0+$0x0], $0xffff;
	s15 =	sor.u32 s17, s15  }
0x2ac: {  	v12 =	vld [tilespmem:s15+$0x7200]  }
0x2ad: {  	v13 =	vld [tilespmem:s15+$0x7280]  }
0x2ae: {  	v14 =	vld [tilespmem:s15+$0x7300]  }
0x2af: {  	s19 =	simm.s32 $0x80;
	s18 =	simm.s32 $0x10;
	v15 =	vld [tilespmem:s15+$0x7380]  }
0x2b0: {  	s16 =	sand.u32 $0x70, s18;
	v9 =	vld.idx.msk [tilespmem:v11+s11+$0x0], $0xffff;
	s17 =	sand.u32 $0xC00, s19  }
0x2b1: {  	v11 =	vld.idx.msk [tilespmem:v11+s6+$0x0], $0xffff;
	s16 =	sor.u32 s16, s17  }
0x2b2: {  	v16 =	vld [tilespmem:s16+$0x7200]  }
0x2b3: {  	v18 =	vld [tilespmem:s16+$0x7280];
	v12 =	vmul.f32 v12, v8;
	v13 =	vmul.f32 v13, v10  }
0x2b4: {  	s20 =	simm.s32 $0x20;
	s21 =	simm.s32 $0x100;
	v19 =	vld [tilespmem:s16+$0x7300];
	v14 =	vmul.f32 v14, v8;
	v15 =	vmul.f32 v15, v10  }
0x2b5: {  	s18 =	sand.u32 $0xC00, s21;
	s17 =	sand.u32 $0x70, s20;
	v20 =	vld [tilespmem:s16+$0x7380]  }
0x2b6: {  	s17 =	sor.u32 s17, s18;
	v12 =	vadd.f32 v13, v12;
	v14 =	vadd.f32 v15, v14  }
0x2b7: {  	v13 =	vld [tilespmem:s17+$0x7200]  }
0x2b8: {  	v15 =	vmul.f32 v12, v9;
	v21 =	vmul.f32 v14, v11;
	v12 =	vld [tilespmem:s17+$0x7280]  }
0x2b9: {  	v17 =	vmul.f32 v16, v8;
	v18 =	vmul.f32 v18, v10;
	v14 =	vld [tilespmem:s17+$0x7300]  }
0x2ba: {  	s19 =	simm.s32 $0x180;
	s18 =	simm.s32 $0x30;
	v19 =	vmul.f32 v19, v8;
	v20 =	vmul.f32 v20, v10;
	v16 =	vadd.f32 v21, v15;
	v15 =	vld [tilespmem:s17+$0x7380]  }
.LBB2_35:
0x2bb: {  	s20 =	sand.u32 $0x70, s18  }
0x2bc: {  	s21 =	sand.u32 $0xC00, s19;
	v17 =	vadd.f32 v18, v17;
	v18 =	vadd.f32 v20, v19;
	[tilespmem:s15+$0x8B80] =	vst v16;
	s15 =	smov.u32 s16;
	p0 =	sne.s32 s18, $0x170  }
.Ltmp16:
0x2bd: {  	s16 =	smov.u32 s17;
	v16 =	vmov v13;
	s17 =	sor.u32 s20, s21;
	(pc) =	sbr.rel @p0 .LBB2_35-.Ltmp16, $4  }
0x2be: {  	v13 =	vld [tilespmem:s17+$0x7200];
	v21 =	vmul.f32 v17, v9;
	v22 =	vmul.f32 v18, v11  }
0x2bf: {  	s18 =	sadd.s32 $0x10, s18;
	v17 =	vmul.f32 v16, v8;
	v18 =	vmul.f32 v12, v10;
	v12 =	vld [tilespmem:s17+$0x7280]  }
0x2c0: {  	v19 =	vmul.f32 v14, v8;
	v14 =	vld [tilespmem:s17+$0x7300];
	v20 =	vmul.f32 v15, v10;
	v16 =	vadd.f32 v22, v21  }
0x2c1: {  	s19 =	sadd.s32 $0x80, s19;
	v15 =	vld [tilespmem:s17+$0x7380]  }
0x2c2: {  	_ =	sdelay $0x2  }
0x2c3: {  	v13 =	vmul.f32 v13, v8;
	v12 =	vmul.f32 v12, v10  }
0x2c4: {  	v8 =	vmul.f32 v14, v8;
	v58 =	vmul.f32 v15, v10  }
0x2c5: {  	v59 =	vadd.f32 v18, v17;
	v60 =	vadd.f32 v20, v19  }
0x2c6: {  	s14 =	sadd.s32 s5, s14;
	v12 =	vadd.f32 v12, v13;
	v8 =	vadd.f32 v58, v8  }
0x2c7: {  	s14 =	sshrl.u32 s14, $0x3;
	v61 =	vmul.f32 v59, v9;
	v62 =	vmul.f32 v60, v11  }
0x2c8: {  	s14 =	smul.u32 $0xC00, s14;
	v63 =	vmul.f32 v12, v9;
	v8 =	vmul.f32 v8, v11  }
0x2c9: {  	v10 =	vadd.f32 v62, v61  }
0x2ca: {  	[tilespmem:s15+$0x8B80] =	vst v16;
	s3 =	sadd.s32 $0x1, s3;
	s14 =	sadd.s32 s9, s14;
	v8 =	vadd.f32 v8, v63  }
0x2cb: {  	p0 =	sne.s32 s3, $0x20;
	s14 =	sshrl.u32 s14, $0x3;
	[tilespmem:s16+$0x8B80] =	vst v10  }
.Ltmp17:
0x2cc: {  	s14 =	sadd.s32 s22, s14;
	[tilespmem:s17+$0x8B80] =	vst v8;
	(pc) =	sbr.rel @p0 .LBB2_4-.Ltmp17, $4  }
0x2cd: {  	[hbm4b:s14+s4] =	stream.linear.scatter [tilespmem:s7], [sflag:$0x2], $0x1800, $0x38;
	[tilespmem:$0x9400] =	vst v63  }
0x2ce: {  	_ =	swait.ge [sflag:s12], $0x1800  }
0x2cf: {  	[sflag:s12] =	ssyncset.done $0x0  }
0x2d0: {  	[sflag:s12] =	ssyncadd.s32 $0xFFFFE800  }
0x2d1: {  	s10 =	rddreg [dreg:$0x7]  }
0x2d2: {  	s3 =	rddreg [dreg:$0x6];
	s10 =	sadd.s32 $0x1, s10  }
0x2d3: {  	p0 =	sne.s32 s10, s3  }
.Ltmp18:
0x2d4: {  	_ = 	snop;
	(pc) =	sbr.rel @p0 .LBB2_1-.Ltmp18, $1  }
0x2d5: {  	_ =	sdelay $0x3  }
0x2d6: {  	_ =	sfence.sel $0x180000  }
0x2d7: {  	[bflag:$0x0] =	sbarrier.arrive $0xFFFF  }
0x2d8: {  	_ =	strace $0x90000047  }
0x2d9: {  	s0 =	stileid.u32;
	[bflag:$0x2] =	sbarrier.arrive $0xFFFF  }
0x2da: {  	p0 =	sne.s32 s0, $0x0;
	s0 =	rddreg [dreg:$0x3]  }
0x2db: {  	s0 =	sadd.s32 @!p0 $0x100000, s0  }
0x2dc: {  	[sflag:s0] =	ssyncadd.tile.s32 @!p0 $0x1;
	_ =	shalt  }
.Lfunc_end2:
_tile_overlayer_lowered:
.L_overlay_start_2:
0x2dd: {  	(tag) =	ssettag $0x2  }
0x2de: {  	s0 =	rddreg [dreg:$0x0];
	s2 =	stileid.u32  }
0x2df: {  	s1 =	rddreg [dreg:$0x1];
	p0 =	sne.s32 s2, $0x0  }
0x2e0: {  	s3 =	rddreg [dreg:$0x2];
	[bflag:$0x3] =	sbarrier.arrive $0xFFFF;
	s2 =	simm.s32 @!p0 $0x1C02  }
0x2e1: {  	[timem:s3], [sflag:s2] =	dma.local @!p0 [hbm:s0], s1  }
0x2e2: {  	s0 =	simm.s32 @!p0 $0x2  }
0x2e3: {  	_ =	swait.ge @!p0 [sflag:s0], s1  }
0x2e4: {  	s1 =	ssub.s32 @!p0 $0x0, s1;
	[sflag:s0] =	ssyncset.done @!p0 $0x0  }
0x2e5: {  	[sflag:s0] =	ssyncadd.s32 @!p0 s1  }
0x2e6: {  	[bflag:$0x3] =	sbarrier.arrive $0xFFFF  }
0x2e7: {  	_ =	shalt  }

</sc_bundles>
